<compile_context>
chip_gen: v7x
topology: tpu7x:2x2x1
jax: 0.10.2.dev20260603
libtpu: 0.0.44.dev20260713+nightly
codegen_flags: <defaults>
</compile_context>

<pallas_src>
import functools

import jax
import jax.numpy as jnp
from jax import lax
from jax.experimental import pallas as pl
from jax.experimental.pallas import tpu as pltpu
from jax.experimental.pallas import tpu_sc as plsc

_T = 2048
_D = 1024
_E = 8
_F = 512
_SF = 2
_LIMIT = 7.0
_RSF = 2.5

_BG = 128
_BC = 256
_PMAX = _T * 2 // _BG * _BG + _E * _BG + _BC
_PMAX = ((_PMAX + _BC - 1) // _BC) * _BC
_CHUNK = 256
_NCH = 2 * _T // _CHUNK
_FC = 128
_NFC = _F // _FC
_SFC = _F * _SF // _NFC
_NW = 32
_TPW = _T // _NW
_HT = _TPW // 2
_BT = 256


def _router_kernel(x_ref, gw_ref, sg_ref, su_ref, sd_ref,
                   s_ref, pos_ref, w_ref, info_ref, oh_ref, cum_ref):
    t = pl.program_id(0)
    row = pl.ds(t * _BT, _BT)
    xb = x_ref[row, :].astype(jnp.bfloat16)
    sgb = sg_ref[...].astype(jnp.bfloat16)
    sub = su_ref[...].astype(jnp.bfloat16)
    sdb = sd_ref[...].astype(jnp.bfloat16)
    dn = (((1,), (1,)), ((), ()))
    a = lax.dot_general(xb, sgb, dn, preferred_element_type=jnp.float32)
    b = lax.dot_general(xb, sub, dn, preferred_element_type=jnp.float32)
    hs = (a * jax.nn.sigmoid(a) * b).astype(jnp.bfloat16)
    s_ref[...] = lax.dot_general(hs, sdb, dn, preferred_element_type=jnp.float32)

    @pl.when(t == 0)
    def _router():
        _router_body(x_ref, gw_ref, pos_ref, w_ref, info_ref, oh_ref, cum_ref)


def _router_body(x_ref, gw_ref, pos_ref, w_ref, info_ref, oh_ref, cum_ref):
    x = x_ref[...]
    logits = jnp.dot(x, gw_ref[...].T, preferred_element_type=jnp.float32)
    scores = jnp.sqrt(jax.nn.softplus(logits))
    col = lax.broadcasted_iota(jnp.int32, scores.shape, 1)
    m1 = jnp.max(scores, axis=1, keepdims=True)
    i1 = jnp.min(jnp.where(scores == m1, col, _E), axis=1, keepdims=True)
    masked = jnp.where(col == i1, -jnp.inf, scores)
    m2 = jnp.max(masked, axis=1, keepdims=True)
    i2 = jnp.min(jnp.where(masked == m2, col, _E), axis=1, keepdims=True)
    s = m1 + m2
    col2 = lax.broadcasted_iota(jnp.int32, (_T, 2), 1)
    w_ref[...] = jnp.where(col2 == 0, m1, m2) * (_RSF / s)

    oh_ref[0:_T, :] = (col == i1).astype(jnp.float32)
    oh_ref[_T:2 * _T, :] = (col == i2).astype(jnp.float32)

    sel_r = lax.broadcasted_iota(jnp.int32, (_NCH, 2 * _T), 0)
    sel_c = lax.broadcasted_iota(jnp.int32, (_NCH, 2 * _T), 1)
    sel = (sel_r == sel_c // _CHUNK).astype(jnp.float32)
    s16 = jnp.dot(sel, oh_ref[...], preferred_element_type=jnp.float32)
    t_r = lax.broadcasted_iota(jnp.int32, (_NCH, _NCH), 0)
    t_c = lax.broadcasted_iota(jnp.int32, (_NCH, _NCH), 1)
    tri16 = (t_r > t_c).astype(jnp.float32)
    off16 = jnp.dot(tri16, s16, preferred_element_type=jnp.float32)

    r_io = lax.broadcasted_iota(jnp.int32, (_CHUNK, _CHUNK), 0)
    c_io = lax.broadcasted_iota(jnp.int32, (_CHUNK, _CHUNK), 1)
    tri = (r_io > c_io).astype(jnp.float32)
    for i in range(_NCH):
        sl = pl.ds(i * _CHUNK, _CHUNK)
        a = oh_ref[sl, :]
        cum_ref[sl, :] = (jnp.dot(tri, a, preferred_element_type=jnp.float32)
                          + off16[i:i + 1, :])

    tot = jnp.sum(s16, axis=0, keepdims=True)
    padded = float(_BG) * jnp.floor((tot + float(_BG - 1)) / float(_BG))
    e_r = lax.broadcasted_iota(jnp.int32, (_E, _E), 0)
    e_c = lax.broadcasted_iota(jnp.int32, (_E, _E), 1)
    m8 = (e_r < e_c).astype(jnp.float32)
    base = jnp.dot(padded, m8, preferred_element_type=jnp.float32)

    p0 = jnp.sum(jnp.where(col == i1, base + cum_ref[0:_T, :], 0.0),
                 axis=1, keepdims=True)
    p1 = jnp.sum(jnp.where(col == i2, base + cum_ref[_T:2 * _T, :], 0.0),
                 axis=1, keepdims=True)
    pos_ref[...] = jnp.where(col2 == 0, p0, p1).astype(jnp.int32)

    lane32 = lax.broadcasted_iota(jnp.int32, (1, 32), 1)
    info = jnp.zeros((1, 32), jnp.float32)
    for e in range(_E):
        info = info + jnp.where(lane32 == e, base[0, e] / float(_BG), 0.0)
        info = info + jnp.where(
            lane32 == 8 + e,
            jnp.floor((padded[0, e] / float(_BG) + 1.0) / 2.0), 0.0)
    info_ref[...] = info.astype(jnp.int32)


def _run_router(x, gate_w, shared_gate, shared_up, shared_down):
    nt = _T // _BT
    return pl.pallas_call(
        _router_kernel,
        grid=(nt,),
        in_specs=[
            pl.BlockSpec((_T, _D), lambda t: (0, 0)),
            pl.BlockSpec((_E, _D), lambda t: (0, 0)),
            pl.BlockSpec((_F * _SF, _D), lambda t: (0, 0)),
            pl.BlockSpec((_F * _SF, _D), lambda t: (0, 0)),
            pl.BlockSpec((_D, _F * _SF), lambda t: (0, 0)),
        ],
        out_specs=[
            pl.BlockSpec((_BT, _D), lambda t: (t, 0)),
            pl.BlockSpec((_T, 2), lambda t: (0, 0)),
            pl.BlockSpec((_T, 2), lambda t: (0, 0)),
            pl.BlockSpec((1, 32), lambda t: (0, 0)),
        ],
        out_shape=[
            jax.ShapeDtypeStruct((_T, _D), jnp.float32),
            jax.ShapeDtypeStruct((_T, 2), jnp.int32),
            jax.ShapeDtypeStruct((_T, 2), jnp.float32),
            jax.ShapeDtypeStruct((1, 32), jnp.int32),
        ],
        scratch_shapes=[
            pltpu.VMEM((2 * _T, _E), jnp.float32),
            pltpu.VMEM((2 * _T, _E), jnp.float32),
        ],
    )(x, gate_w, shared_gate, shared_up, shared_down)


def _make_scatter():
    mesh = plsc.VectorSubcoreMesh(core_axis_name="c", subcore_axis_name="s")

    @functools.partial(
        pl.kernel, mesh=mesh,
        out_type=jax.ShapeDtypeStruct((_PMAX, _D), jnp.float32),
        scratch_types=[
            pltpu.VMEM((_TPW, _D), jnp.float32),
            pltpu.VMEM((_TPW,), jnp.int32),
            pltpu.VMEM((_TPW,), jnp.int32),
            pltpu.SemaphoreType.DMA,
        ],
    )
    def scatter_k(x_hbm, pos0_hbm, pos1_hbm, xs_hbm, xbuf, i0, i1, sem):
        wid = lax.axis_index("s") * 2 + lax.axis_index("c")
        base = wid * _TPW
        pltpu.sync_copy(x_hbm.at[pl.ds(base, _TPW)], xbuf)
        pltpu.sync_copy(pos0_hbm.at[pl.ds(base, _TPW)], i0)
        pltpu.sync_copy(pos1_hbm.at[pl.ds(base, _TPW)], i1)
        c0 = pltpu.async_copy(xbuf, xs_hbm.at[i0], sem)
        c1 = pltpu.async_copy(xbuf, xs_hbm.at[i1], sem)
        c0.wait()
        c1.wait()

    return scatter_k


def _ffn_kernel(info_ref, xs_ref, wg_ref, wu_ref, wd_ref, y_ref):
    e = pl.program_id(0)
    dn = (((1,), (1,)), ((), ()))
    start = info_ref[e]
    nch = info_ref[8 + e]
    wg16 = wg_ref[0].astype(jnp.bfloat16)
    wu16 = wu_ref[0].astype(jnp.bfloat16)
    wd16 = wd_ref[0].astype(jnp.bfloat16)

    def chunk(c, carry):
        row0 = pl.multiple_of(start * _BG, _BG) + c * _BC
        rows = pl.ds(row0, _BC)
        xb = xs_ref[rows, :].astype(jnp.bfloat16)
        g = lax.dot_general(xb, wg16, dn, preferred_element_type=jnp.float32)
        u = lax.dot_general(xb, wu16, dn, preferred_element_type=jnp.float32)
        g = jnp.minimum(g, _LIMIT)
        u = jnp.clip(u, -_LIMIT, _LIMIT)
        h = ((g * jax.nn.sigmoid(g)) * u).astype(jnp.bfloat16)
        y_ref[rows, :] = lax.dot_general(h, wd16, dn,
                                         preferred_element_type=jnp.float32)
        return carry

    lax.fori_loop(0, nch, chunk, 0)


def _run_ffn(xs, w_gate, w_up, w_down, info):
    grid_spec = pltpu.PrefetchScalarGridSpec(
        num_scalar_prefetch=1,
        grid=(_E,),
        in_specs=[
            pl.BlockSpec((_PMAX, _D), lambda e, info: (0, 0)),
            pl.BlockSpec((1, _F, _D), lambda e, info: (e, 0, 0)),
            pl.BlockSpec((1, _F, _D), lambda e, info: (e, 0, 0)),
            pl.BlockSpec((1, _D, _F), lambda e, info: (e, 0, 0)),
        ],
        out_specs=pl.BlockSpec((_PMAX, _D), lambda e, info: (0, 0)),
    )
    return pl.pallas_call(
        _ffn_kernel,
        grid_spec=grid_spec,
        out_shape=jax.ShapeDtypeStruct((_PMAX, _D), jnp.float32),
        compiler_params=pltpu.CompilerParams(
            vmem_limit_bytes=62 * 1024 * 1024),
    )(info, xs, w_gate, w_up, w_down)


def _make_gather():
    mesh = plsc.VectorSubcoreMesh(core_axis_name="c", subcore_axis_name="s")

    @functools.partial(
        pl.kernel, mesh=mesh,
        out_type=[
            jax.ShapeDtypeStruct((_T, _D), jnp.float32),
            jax.ShapeDtypeStruct((_T, _D), jnp.float32),
        ],
        scratch_types=[
            pltpu.VMEM((_TPW, _D), jnp.float32),
            pltpu.VMEM((_TPW,), jnp.int32),
            pltpu.SemaphoreType.DMA,
        ],
    )
    def gather_k(y_hbm, pos0_hbm, pos1_hbm, y0_hbm, y1_hbm, buf, idx, sem):
        wid = lax.axis_index("s") * 2 + lax.axis_index("c")
        base = wid * _TPW
        pltpu.sync_copy(pos0_hbm.at[pl.ds(base, _TPW)], idx)
        pltpu.async_copy(y_hbm.at[idx], buf, sem).wait()
        pltpu.sync_copy(buf, y0_hbm.at[pl.ds(base, _TPW)])
        pltpu.sync_copy(pos1_hbm.at[pl.ds(base, _TPW)], idx)
        pltpu.async_copy(y_hbm.at[idx], buf, sem).wait()
        pltpu.sync_copy(buf, y1_hbm.at[pl.ds(base, _TPW)])

    return gather_k


def _combine_kernel(s_ref, y0_ref, y1_ref, w_ref, out_ref):
    w = w_ref[...]
    out_ref[...] = (s_ref[...] + w[:, 0:1] * y0_ref[...]
                    + w[:, 1:2] * y1_ref[...])


def _run_combine(shared, y0, y1, w2):
    nt = _T // _BT
    return pl.pallas_call(
        _combine_kernel,
        grid=(nt,),
        in_specs=[
            pl.BlockSpec((_BT, _D), lambda t: (t, 0)),
            pl.BlockSpec((_BT, _D), lambda t: (t, 0)),
            pl.BlockSpec((_BT, _D), lambda t: (t, 0)),
            pl.BlockSpec((_BT, 2), lambda t: (t, 0)),
        ],
        out_specs=pl.BlockSpec((_BT, _D), lambda t: (t, 0)),
        out_shape=jax.ShapeDtypeStruct((_T, _D), jnp.float32),
    )(shared, y0, y1, w2)


def kernel(hidden_states, gate_w, w_gate, w_up, w_down,
           shared_gate, shared_up, shared_down):
    org_shape = hidden_states.shape
    x = hidden_states.reshape(-1, org_shape[-1])

    shared, pos2, w2, info = _run_router(x, gate_w, shared_gate,
                                         shared_up, shared_down)
    pos0 = pos2[:, 0]
    pos1 = pos2[:, 1]

    xs = _make_scatter()(x, pos0, pos1)
    y = _run_ffn(xs, w_gate, w_up, w_down, info.reshape(32))
    y0, y1 = _make_gather()(y, pos0, pos1)
    out = _run_combine(shared, y0, y1, w2)
    return out.reshape(org_shape)

# --- scband reference (transcript-rebuilt; emitter-appended) ---
"""Pipeline reference for scband-deepseek-v4-mo-e-61718680043942 (READ-ONLY COPY).

The authoritative reference and input builder live on the scoring server;
editing this copy changes nothing except your own understanding.
"""

import jax, jax.numpy as jnp
import numpy as np

T = 2048      # tokens (batch=1 x seq=2048)
D = 1024      # hidden_size
E = 8         # n_routed_experts
K = 2         # num_experts_per_tok
F = 512       # moe_intermediate_size
SF = 2        # n_shared_experts
LIMIT = 7.0   # swiglu_limit
RSF = 2.5     # routed_scaling_factor


def setup_inputs(seed: int = 0) -> dict:
    key = jax.random.key(seed)
    ks = jax.random.split(key, 8)
    hidden_states = jax.random.normal(ks[0], (T, D), dtype=jnp.float32)
    gate_w = jax.random.normal(ks[1], (E, D), dtype=jnp.float32) * 0.02
    w_gate = jax.random.normal(ks[2], (E, F, D), dtype=jnp.float32) * 0.02
    w_up = jax.random.normal(ks[3], (E, F, D), dtype=jnp.float32) * 0.02
    w_down = jax.random.normal(ks[4], (E, D, F), dtype=jnp.float32) * 0.02
    shared_gate = jax.random.normal(ks[5], (F * SF, D), dtype=jnp.float32) * 0.02
    shared_up = jax.random.normal(ks[6], (F * SF, D), dtype=jnp.float32) * 0.02
    shared_down = jax.random.normal(ks[7], (D, F * SF), dtype=jnp.float32) * 0.02
    return {
        'hidden_states': hidden_states,
        'gate_w': gate_w,
        'w_gate': w_gate,
        'w_up': w_up,
        'w_down': w_down,
        'shared_gate': shared_gate,
        'shared_up': shared_up,
        'shared_down': shared_down,
    }


def reference(hidden_states, gate_w, w_gate, w_up, w_down,
              shared_gate, shared_up, shared_down):
    org_shape = hidden_states.shape
    x = hidden_states.reshape(-1, org_shape[-1])
    # Router: gate linear in float32, sqrtsoftplus scoring
    logits = (x @ gate_w.T).astype(jnp.float32)
    scores = jnp.sqrt(jax.nn.softplus(logits))
    topv, topi = jax.lax.top_k(scores, K)
    # norm_topk_prob=True: renormalize top-k weights, then routed scaling
    w = topv / jnp.sum(topv, axis=-1, keepdims=True)
    w = (w * RSF).astype(x.dtype)
    combine = jnp.sum(jax.nn.one_hot(topi, E, dtype=x.dtype) * w[..., None], axis=1)  # [T, E]
    # Routed experts: SwiGLU with swiglu_limit clamping (dense dispatch, masked combine)
    g = jnp.einsum('td,efd->tef', x, w_gate)
    u = jnp.einsum('td,efd->tef', x, w_up)
    g = jnp.minimum(g, LIMIT)
    u = jnp.clip(u, -LIMIT, LIMIT)
    h = (g * jax.nn.sigmoid(g)) * u
    y = jnp.einsum('tef,edf->ted', h, w_down)
    routed = jnp.einsum('ted,te->td', y, combine)
    # Shared experts (DeepseekV2MLP, silu)
    sg = x @ shared_gate.T
    su = x @ shared_up.T
    shared = (sg * jax.nn.sigmoid(sg) * su) @ shared_down.T
    out = routed + shared
    return out.reshape(org_shape)

if __name__ == "__main__":
    import jax
    _d = setup_inputs()
    print(jax.jit(kernel)(*tuple(_d.values())))

</pallas_src>

<mosaic_0001>
#map = affine_map<(d0, d1) -> (0, 0)>
#map1 = affine_map<(d0, d1) -> (0)>
module attributes {stable_mosaic.version = 14 : i64} {
  func.func @gather_k(%arg0: i32, %arg1: i32, %arg2: memref<5376x1024xf32, #tpu.memory_space<hbm>>, %arg3: memref<2048xi32, #tpu.memory_space<hbm>>, %arg4: memref<2048xi32, #tpu.memory_space<hbm>>, %arg5: memref<2048x1024xf32, #tpu.memory_space<hbm>>, %arg6: memref<2048x1024xf32, #tpu.memory_space<hbm>>, %arg7: memref<64x1024xf32, #tpu.memory_space<vmem>>, %arg8: memref<64xi32, #tpu.memory_space<vmem>>, %arg9: memref<!tpu.dma_semaphore, #tpu.memory_space<semaphore_mem>>) attributes {dimension_semantics = [#tpu.dimension_semantics<core_parallel>, #tpu.dimension_semantics<subcore_parallel>], iteration_bounds = array<i64: 2, 16>, scalar_prefetch = 0 : i64, scratch_operands = 3 : i64, tpu.core_type = #tpu.core_type<sc_vector_subcore>, window_params = [{transform_indices = #map}, {transform_indices = #map1}, {transform_indices = #map1}, {transform_indices = #map}, {transform_indices = #map}]} {
    %mul3A = arith.constant 2 : i32
    %mul3A_0 = arith.muli %arg1, %mul3A : i32
    %add3A = arith.addi %mul3A_0, %arg0 : i32
    %mul3A_1 = arith.constant 64 : i32
    %mul3A_2 = arith.muli %add3A, %mul3A_1 : i32
    "tpu.region"() ({
      %run_scoped3A = tpu.sem_alloc : memref<!tpu.dma_semaphore, #tpu.memory_space<semaphore_mem>>
      %dma_start3A_13 = tpu.memref_slice %arg3[%mul3A_2] : memref<2048xi32, #tpu.memory_space<hbm>> -> memref<64xi32, #tpu.memory_space<hbm>>
      %dma_start3A_14 = tpu.memref_slice %arg3[%mul3A_2] : memref<2048xi32, #tpu.memory_space<hbm>> -> memref<64xi32, #tpu.memory_space<hbm>>
      tpu.enqueue_dma source(%dma_start3A_14 : memref<64xi32, #tpu.memory_space<hbm>>) target(%arg8 : memref<64xi32, #tpu.memory_space<vmem>>) target_semaphore(%run_scoped3A : memref<!tpu.dma_semaphore, #tpu.memory_space<semaphore_mem>>)
      %dma_wait3A_15 = tpu.memref_slice %arg3[%mul3A_2] : memref<2048xi32, #tpu.memory_space<hbm>> -> memref<64xi32, #tpu.memory_space<hbm>>
      %dma_wait3A_16 = tpu.memref_slice %arg3[%mul3A_2] : memref<2048xi32, #tpu.memory_space<hbm>> -> memref<64xi32, #tpu.memory_space<hbm>>
      tpu.wait_dma2 semaphore(%run_scoped3A : memref<!tpu.dma_semaphore, #tpu.memory_space<semaphore_mem>>) src(%dma_wait3A_16 : memref<64xi32, #tpu.memory_space<hbm>>) dst(%arg8 : memref<64xi32, #tpu.memory_space<vmem>>)
      tpu.yield
    }) : () -> ()
    %dma_start3A = arith.constant 0 : i32
    %dma_start3A_3 = arith.constant 0 : i32
    %dma_start3A_4 = tpu.memref_slice %arg2[%dma_start3A, %dma_start3A_3] : memref<5376x1024xf32, #tpu.memory_space<hbm>> -> memref<5376x1024xf32, #tpu.memory_space<hbm>>
    tpu.enqueue_indirect_dma source(%dma_start3A_4 : memref<5376x1024xf32, #tpu.memory_space<hbm>>) target(%arg7 : memref<64x1024xf32, #tpu.memory_space<vmem>>) offsets(%arg8 : memref<64xi32, #tpu.memory_space<vmem>>) semaphore(%arg9 : memref<!tpu.dma_semaphore, #tpu.memory_space<semaphore_mem>>)
    %dma_wait3A = arith.constant 0 : i32
    %dma_wait3A_5 = arith.constant 0 : i32
    %dma_wait3A_6 = tpu.memref_slice %arg2[%dma_wait3A, %dma_wait3A_5] : memref<5376x1024xf32, #tpu.memory_space<hbm>> -> memref<5376x1024xf32, #tpu.memory_space<hbm>>
    tpu.wait_indirect_dma semaphore(%arg9 : memref<!tpu.dma_semaphore, #tpu.memory_space<semaphore_mem>>) src(%dma_wait3A_6 : memref<5376x1024xf32, #tpu.memory_space<hbm>>) dst(%arg7 : memref<64x1024xf32, #tpu.memory_space<vmem>>)
    "tpu.region"() ({
      %run_scoped3A = tpu.sem_alloc : memref<!tpu.dma_semaphore, #tpu.memory_space<semaphore_mem>>
      %dma_start3A_13 = arith.constant 0 : i32
      %dma_start3A_14 = tpu.memref_slice %arg5[%mul3A_2, %dma_start3A_13] : memref<2048x1024xf32, #tpu.memory_space<hbm>> -> memref<64x1024xf32, #tpu.memory_space<hbm>>
      %dma_start3A_15 = arith.constant 0 : i32
      %dma_start3A_16 = tpu.memref_slice %arg5[%mul3A_2, %dma_start3A_15] : memref<2048x1024xf32, #tpu.memory_space<hbm>> -> memref<64x1024xf32, #tpu.memory_space<hbm>>
      tpu.enqueue_dma source(%arg7 : memref<64x1024xf32, #tpu.memory_space<vmem>>) target(%dma_start3A_16 : memref<64x1024xf32, #tpu.memory_space<hbm>>) target_semaphore(%run_scoped3A : memref<!tpu.dma_semaphore, #tpu.memory_space<semaphore_mem>>)
      %dma_wait3A_17 = arith.constant 0 : i32
      %dma_wait3A_18 = tpu.memref_slice %arg5[%mul3A_2, %dma_wait3A_17] : memref<2048x1024xf32, #tpu.memory_space<hbm>> -> memref<64x1024xf32, #tpu.memory_space<hbm>>
      %dma_wait3A_19 = arith.constant 0 : i32
      %dma_wait3A_20 = tpu.memref_slice %arg5[%mul3A_2, %dma_wait3A_19] : memref<2048x1024xf32, #tpu.memory_space<hbm>> -> memref<64x1024xf32, #tpu.memory_space<hbm>>
      tpu.wait_dma2 semaphore(%run_scoped3A : memref<!tpu.dma_semaphore, #tpu.memory_space<semaphore_mem>>) src(%arg7 : memref<64x1024xf32, #tpu.memory_space<vmem>>) dst(%dma_wait3A_20 : memref<64x1024xf32, #tpu.memory_space<hbm>>)
      tpu.yield
    }) : () -> ()
    "tpu.region"() ({
      %run_scoped3A = tpu.sem_alloc : memref<!tpu.dma_semaphore, #tpu.memory_space<semaphore_mem>>
      %dma_start3A_13 = tpu.memref_slice %arg4[%mul3A_2] : memref<2048xi32, #tpu.memory_space<hbm>> -> memref<64xi32, #tpu.memory_space<hbm>>
      %dma_start3A_14 = tpu.memref_slice %arg4[%mul3A_2] : memref<2048xi32, #tpu.memory_space<hbm>> -> memref<64xi32, #tpu.memory_space<hbm>>
      tpu.enqueue_dma source(%dma_start3A_14 : memref<64xi32, #tpu.memory_space<hbm>>) target(%arg8 : memref<64xi32, #tpu.memory_space<vmem>>) target_semaphore(%run_scoped3A : memref<!tpu.dma_semaphore, #tpu.memory_space<semaphore_mem>>)
      %dma_wait3A_15 = tpu.memref_slice %arg4[%mul3A_2] : memref<2048xi32, #tpu.memory_space<hbm>> -> memref<64xi32, #tpu.memory_space<hbm>>
      %dma_wait3A_16 = tpu.memref_slice %arg4[%mul3A_2] : memref<2048xi32, #tpu.memory_space<hbm>> -> memref<64xi32, #tpu.memory_space<hbm>>
      tpu.wait_dma2 semaphore(%run_scoped3A : memref<!tpu.dma_semaphore, #tpu.memory_space<semaphore_mem>>) src(%dma_wait3A_16 : memref<64xi32, #tpu.memory_space<hbm>>) dst(%arg8 : memref<64xi32, #tpu.memory_space<vmem>>)
      tpu.yield
    }) : () -> ()
    %dma_start3A_7 = arith.constant 0 : i32
    %dma_start3A_8 = arith.constant 0 : i32
    %dma_start3A_9 = tpu.memref_slice %arg2[%dma_start3A_7, %dma_start3A_8] : memref<5376x1024xf32, #tpu.memory_space<hbm>> -> memref<5376x1024xf32, #tpu.memory_space<hbm>>
    tpu.enqueue_indirect_dma source(%dma_start3A_9 : memref<5376x1024xf32, #tpu.memory_space<hbm>>) target(%arg7 : memref<64x1024xf32, #tpu.memory_space<vmem>>) offsets(%arg8 : memref<64xi32, #tpu.memory_space<vmem>>) semaphore(%arg9 : memref<!tpu.dma_semaphore, #tpu.memory_space<semaphore_mem>>)
    %dma_wait3A_10 = arith.constant 0 : i32
    %dma_wait3A_11 = arith.constant 0 : i32
    %dma_wait3A_12 = tpu.memref_slice %arg2[%dma_wait3A_10, %dma_wait3A_11] : memref<5376x1024xf32, #tpu.memory_space<hbm>> -> memref<5376x1024xf32, #tpu.memory_space<hbm>>
    tpu.wait_indirect_dma semaphore(%arg9 : memref<!tpu.dma_semaphore, #tpu.memory_space<semaphore_mem>>) src(%dma_wait3A_12 : memref<5376x1024xf32, #tpu.memory_space<hbm>>) dst(%arg7 : memref<64x1024xf32, #tpu.memory_space<vmem>>)
    "tpu.region"() ({
      %run_scoped3A = tpu.sem_alloc : memref<!tpu.dma_semaphore, #tpu.memory_space<semaphore_mem>>
      %dma_start3A_13 = arith.constant 0 : i32
      %dma_start3A_14 = tpu.memref_slice %arg6[%mul3A_2, %dma_start3A_13] : memref<2048x1024xf32, #tpu.memory_space<hbm>> -> memref<64x1024xf32, #tpu.memory_space<hbm>>
      %dma_start3A_15 = arith.constant 0 : i32
      %dma_start3A_16 = tpu.memref_slice %arg6[%mul3A_2, %dma_start3A_15] : memref<2048x1024xf32, #tpu.memory_space<hbm>> -> memref<64x1024xf32, #tpu.memory_space<hbm>>
      tpu.enqueue_dma source(%arg7 : memref<64x1024xf32, #tpu.memory_space<vmem>>) target(%dma_start3A_16 : memref<64x1024xf32, #tpu.memory_space<hbm>>) target_semaphore(%run_scoped3A : memref<!tpu.dma_semaphore, #tpu.memory_space<semaphore_mem>>)
      %dma_wait3A_17 = arith.constant 0 : i32
      %dma_wait3A_18 = tpu.memref_slice %arg6[%mul3A_2, %dma_wait3A_17] : memref<2048x1024xf32, #tpu.memory_space<hbm>> -> memref<64x1024xf32, #tpu.memory_space<hbm>>
      %dma_wait3A_19 = arith.constant 0 : i32
      %dma_wait3A_20 = tpu.memref_slice %arg6[%mul3A_2, %dma_wait3A_19] : memref<2048x1024xf32, #tpu.memory_space<hbm>> -> memref<64x1024xf32, #tpu.memory_space<hbm>>
      tpu.wait_dma2 semaphore(%run_scoped3A : memref<!tpu.dma_semaphore, #tpu.memory_space<semaphore_mem>>) src(%arg7 : memref<64x1024xf32, #tpu.memory_space<vmem>>) dst(%dma_wait3A_20 : memref<64x1024xf32, #tpu.memory_space<hbm>>)
      tpu.yield
    }) : () -> ()
    return
  }
}

#map = affine_map<(d0, d1) -> (0, 0)>
#map1 = affine_map<(d0, d1) -> (0)>
module attributes {stable_mosaic.version = 14 : i64} {
  func.func @scatter_k(%arg0: i32, %arg1: i32, %arg2: memref<2048x1024xf32, #tpu.memory_space<hbm>>, %arg3: memref<2048xi32, #tpu.memory_space<hbm>>, %arg4: memref<2048xi32, #tpu.memory_space<hbm>>, %arg5: memref<5376x1024xf32, #tpu.memory_space<hbm>>, %arg6: memref<64x1024xf32, #tpu.memory_space<vmem>>, %arg7: memref<64xi32, #tpu.memory_space<vmem>>, %arg8: memref<64xi32, #tpu.memory_space<vmem>>, %arg9: memref<!tpu.dma_semaphore, #tpu.memory_space<semaphore_mem>>) attributes {dimension_semantics = [#tpu.dimension_semantics<core_parallel>, #tpu.dimension_semantics<subcore_parallel>], iteration_bounds = array<i64: 2, 16>, scalar_prefetch = 0 : i64, scratch_operands = 4 : i64, tpu.core_type = #tpu.core_type<sc_vector_subcore>, window_params = [{transform_indices = #map}, {transform_indices = #map1}, {transform_indices = #map1}, {transform_indices = #map}]} {
    %mul3A = arith.constant 2 : i32
    %mul3A_0 = arith.muli %arg1, %mul3A : i32
    %add3A = arith.addi %mul3A_0, %arg0 : i32
    %mul3A_1 = arith.constant 64 : i32
    %mul3A_2 = arith.muli %add3A, %mul3A_1 : i32
    "tpu.region"() ({
      %run_scoped3A = tpu.sem_alloc : memref<!tpu.dma_semaphore, #tpu.memory_space<semaphore_mem>>
      %dma_start3A_13 = arith.constant 0 : i32
      %dma_start3A_14 = tpu.memref_slice %arg2[%mul3A_2, %dma_start3A_13] : memref<2048x1024xf32, #tpu.memory_space<hbm>> -> memref<64x1024xf32, #tpu.memory_space<hbm>>
      %dma_start3A_15 = arith.constant 0 : i32
      %dma_start3A_16 = tpu.memref_slice %arg2[%mul3A_2, %dma_start3A_15] : memref<2048x1024xf32, #tpu.memory_space<hbm>> -> memref<64x1024xf32, #tpu.memory_space<hbm>>
      tpu.enqueue_dma source(%dma_start3A_16 : memref<64x1024xf32, #tpu.memory_space<hbm>>) target(%arg6 : memref<64x1024xf32, #tpu.memory_space<vmem>>) target_semaphore(%run_scoped3A : memref<!tpu.dma_semaphore, #tpu.memory_space<semaphore_mem>>)
      %dma_wait3A_17 = arith.constant 0 : i32
      %dma_wait3A_18 = tpu.memref_slice %arg2[%mul3A_2, %dma_wait3A_17] : memref<2048x1024xf32, #tpu.memory_space<hbm>> -> memref<64x1024xf32, #tpu.memory_space<hbm>>
      %dma_wait3A_19 = arith.constant 0 : i32
      %dma_wait3A_20 = tpu.memref_slice %arg2[%mul3A_2, %dma_wait3A_19] : memref<2048x1024xf32, #tpu.memory_space<hbm>> -> memref<64x1024xf32, #tpu.memory_space<hbm>>
      tpu.wait_dma2 semaphore(%run_scoped3A : memref<!tpu.dma_semaphore, #tpu.memory_space<semaphore_mem>>) src(%dma_wait3A_20 : memref<64x1024xf32, #tpu.memory_space<hbm>>) dst(%arg6 : memref<64x1024xf32, #tpu.memory_space<vmem>>)
      tpu.yield
    }) : () -> ()
    "tpu.region"() ({
      %run_scoped3A = tpu.sem_alloc : memref<!tpu.dma_semaphore, #tpu.memory_space<semaphore_mem>>
      %dma_start3A_13 = tpu.memref_slice %arg3[%mul3A_2] : memref<2048xi32, #tpu.memory_space<hbm>> -> memref<64xi32, #tpu.memory_space<hbm>>
      %dma_start3A_14 = tpu.memref_slice %arg3[%mul3A_2] : memref<2048xi32, #tpu.memory_space<hbm>> -> memref<64xi32, #tpu.memory_space<hbm>>
      tpu.enqueue_dma source(%dma_start3A_14 : memref<64xi32, #tpu.memory_space<hbm>>) target(%arg7 : memref<64xi32, #tpu.memory_space<vmem>>) target_semaphore(%run_scoped3A : memref<!tpu.dma_semaphore, #tpu.memory_space<semaphore_mem>>)
      %dma_wait3A_15 = tpu.memref_slice %arg3[%mul3A_2] : memref<2048xi32, #tpu.memory_space<hbm>> -> memref<64xi32, #tpu.memory_space<hbm>>
      %dma_wait3A_16 = tpu.memref_slice %arg3[%mul3A_2] : memref<2048xi32, #tpu.memory_space<hbm>> -> memref<64xi32, #tpu.memory_space<hbm>>
      tpu.wait_dma2 semaphore(%run_scoped3A : memref<!tpu.dma_semaphore, #tpu.memory_space<semaphore_mem>>) src(%dma_wait3A_16 : memref<64xi32, #tpu.memory_space<hbm>>) dst(%arg7 : memref<64xi32, #tpu.memory_space<vmem>>)
      tpu.yield
    }) : () -> ()
    "tpu.region"() ({
      %run_scoped3A = tpu.sem_alloc : memref<!tpu.dma_semaphore, #tpu.memory_space<semaphore_mem>>
      %dma_start3A_13 = tpu.memref_slice %arg4[%mul3A_2] : memref<2048xi32, #tpu.memory_space<hbm>> -> memref<64xi32, #tpu.memory_space<hbm>>
      %dma_start3A_14 = tpu.memref_slice %arg4[%mul3A_2] : memref<2048xi32, #tpu.memory_space<hbm>> -> memref<64xi32, #tpu.memory_space<hbm>>
      tpu.enqueue_dma source(%dma_start3A_14 : memref<64xi32, #tpu.memory_space<hbm>>) target(%arg8 : memref<64xi32, #tpu.memory_space<vmem>>) target_semaphore(%run_scoped3A : memref<!tpu.dma_semaphore, #tpu.memory_space<semaphore_mem>>)
      %dma_wait3A_15 = tpu.memref_slice %arg4[%mul3A_2] : memref<2048xi32, #tpu.memory_space<hbm>> -> memref<64xi32, #tpu.memory_space<hbm>>
      %dma_wait3A_16 = tpu.memref_slice %arg4[%mul3A_2] : memref<2048xi32, #tpu.memory_space<hbm>> -> memref<64xi32, #tpu.memory_space<hbm>>
      tpu.wait_dma2 semaphore(%run_scoped3A : memref<!tpu.dma_semaphore, #tpu.memory_space<semaphore_mem>>) src(%dma_wait3A_16 : memref<64xi32, #tpu.memory_space<hbm>>) dst(%arg8 : memref<64xi32, #tpu.memory_space<vmem>>)
      tpu.yield
    }) : () -> ()
    %dma_start3A = arith.constant 0 : i32
    %dma_start3A_3 = arith.constant 0 : i32
    %dma_start3A_4 = tpu.memref_slice %arg5[%dma_start3A, %dma_start3A_3] : memref<5376x1024xf32, #tpu.memory_space<hbm>> -> memref<5376x1024xf32, #tpu.memory_space<hbm>>
    tpu.enqueue_indirect_dma source(%arg6 : memref<64x1024xf32, #tpu.memory_space<vmem>>) target(%dma_start3A_4 : memref<5376x1024xf32, #tpu.memory_space<hbm>>) offsets(%arg7 : memref<64xi32, #tpu.memory_space<vmem>>) semaphore(%arg9 : memref<!tpu.dma_semaphore, #tpu.memory_space<semaphore_mem>>)
    %dma_start3A_5 = arith.constant 0 : i32
    %dma_start3A_6 = arith.constant 0 : i32
    %dma_start3A_7 = tpu.memref_slice %arg5[%dma_start3A_5, %dma_start3A_6] : memref<5376x1024xf32, #tpu.memory_space<hbm>> -> memref<5376x1024xf32, #tpu.memory_space<hbm>>
    tpu.enqueue_indirect_dma source(%arg6 : memref<64x1024xf32, #tpu.memory_space<vmem>>) target(%dma_start3A_7 : memref<5376x1024xf32, #tpu.memory_space<hbm>>) offsets(%arg8 : memref<64xi32, #tpu.memory_space<vmem>>) semaphore(%arg9 : memref<!tpu.dma_semaphore, #tpu.memory_space<semaphore_mem>>)
    %dma_wait3A = arith.constant 0 : i32
    %dma_wait3A_8 = arith.constant 0 : i32
    %dma_wait3A_9 = tpu.memref_slice %arg5[%dma_wait3A, %dma_wait3A_8] : memref<5376x1024xf32, #tpu.memory_space<hbm>> -> memref<5376x1024xf32, #tpu.memory_space<hbm>>
    tpu.wait_indirect_dma semaphore(%arg9 : memref<!tpu.dma_semaphore, #tpu.memory_space<semaphore_mem>>) src(%arg6 : memref<64x1024xf32, #tpu.memory_space<vmem>>) dst(%dma_wait3A_9 : memref<5376x1024xf32, #tpu.memory_space<hbm>>)
    %dma_wait3A_10 = arith.constant 0 : i32
    %dma_wait3A_11 = arith.constant 0 : i32
    %dma_wait3A_12 = tpu.memref_slice %arg5[%dma_wait3A_10, %dma_wait3A_11] : memref<5376x1024xf32, #tpu.memory_space<hbm>> -> memref<5376x1024xf32, #tpu.memory_space<hbm>>
    tpu.wait_indirect_dma semaphore(%arg9 : memref<!tpu.dma_semaphore, #tpu.memory_space<semaphore_mem>>) src(%arg6 : memref<64x1024xf32, #tpu.memory_space<vmem>>) dst(%dma_wait3A_12 : memref<5376x1024xf32, #tpu.memory_space<hbm>>)
    return
  }
}

module attributes {stable_mosaic.version = 14 : i64} {
  func.func @_router_kernel(%arg0: i32, %arg1: memref<2048x1024xf32, #tpu.memory_space<vmem>>, %arg2: memref<8x1024xf32, #tpu.memory_space<vmem>>, %arg3: memref<1024x1024xf32, #tpu.memory_space<vmem>>, %arg4: memref<1024x1024xf32, #tpu.memory_space<vmem>>, %arg5: memref<1024x1024xf32, #tpu.memory_space<vmem>>, %arg6: memref<256x1024xf32, #tpu.memory_space<vmem>>, %arg7: memref<2048x2xi32, #tpu.memory_space<vmem>>, %arg8: memref<2048x2xf32, #tpu.memory_space<vmem>>, %arg9: memref<1x32xi32, #tpu.memory_space<vmem>>, %arg10: memref<4096x8xf32, #tpu.memory_space<vmem>>, %arg11: memref<4096x8xf32, #tpu.memory_space<vmem>>) attributes {dimension_semantics = [#tpu.dimension_semantics<arbitrary>], iteration_bounds = array<i64: 8>, scalar_prefetch = 0 : i64, scratch_operands = 2 : i64, tpu.core_type = #tpu.core_type<tc>, window_params = [{pipeline_mode = #tpu.pipeline_mode<synchronous>, transform_indices = @transform_0, window_bounds = array<i64: 2048, 1024>}, {pipeline_mode = #tpu.pipeline_mode<synchronous>, transform_indices = @transform_1, window_bounds = array<i64: 8, 1024>}, {pipeline_mode = #tpu.pipeline_mode<synchronous>, transform_indices = @transform_2, window_bounds = array<i64: 1024, 1024>}, {pipeline_mode = #tpu.pipeline_mode<synchronous>, transform_indices = @transform_3, window_bounds = array<i64: 1024, 1024>}, {pipeline_mode = #tpu.pipeline_mode<synchronous>, transform_indices = @transform_4, window_bounds = array<i64: 1024, 1024>}, {transform_indices = @transform_5, window_bounds = array<i64: 256, 1024>}, {pipeline_mode = #tpu.pipeline_mode<synchronous>, transform_indices = @transform_6, window_bounds = array<i64: 2048, 2>}, {pipeline_mode = #tpu.pipeline_mode<synchronous>, transform_indices = @transform_7, window_bounds = array<i64: 2048, 2>}, {pipeline_mode = #tpu.pipeline_mode<synchronous>, transform_indices = @transform_8, window_bounds = array<i64: 1, 32>}]} {
    %mul3A = arith.constant 256 : i32
    %mul3A_0 = arith.muli %arg0, %mul3A : i32
    %get3A = arith.index_cast %mul3A_0 : i32 to index
    %get3A_1 = arith.constant 0 : index
    %get3A_2 = vector.load %arg1[%get3A, %get3A_1] : memref<2048x1024xf32, #tpu.memory_space<vmem>>, vector<256x1024xf32>
    %convert_element_type3A = arith.truncf %get3A_2 : vector<256x1024xf32> to vector<256x1024xbf16>
    %get3A_3 = arith.constant 0 : index
    %get3A_4 = arith.constant 0 : index
    %get3A_5 = vector.load %arg3[%get3A_3, %get3A_4] : memref<1024x1024xf32, #tpu.memory_space<vmem>>, vector<1024x1024xf32>
    %convert_element_type3A_6 = arith.truncf %get3A_5 : vector<1024x1024xf32> to vector<1024x1024xbf16>
    %get3A_7 = arith.constant 0 : index
    %get3A_8 = arith.constant 0 : index
    %get3A_9 = vector.load %arg4[%get3A_7, %get3A_8] : memref<1024x1024xf32, #tpu.memory_space<vmem>>, vector<1024x1024xf32>
    %convert_element_type3A_10 = arith.truncf %get3A_9 : vector<1024x1024xf32> to vector<1024x1024xbf16>
    %get3A_11 = arith.constant 0 : index
    %get3A_12 = arith.constant 0 : index
    %get3A_13 = vector.load %arg5[%get3A_11, %get3A_12] : memref<1024x1024xf32, #tpu.memory_space<vmem>>, vector<1024x1024xf32>
    %convert_element_type3A_14 = arith.truncf %get3A_13 : vector<1024x1024xf32> to vector<1024x1024xbf16>
    %dot_general3A = arith.constant dense<0.000000e+00> : vector<256x1024xf32>
    %dot_general3A_15 = tpu.matmul %convert_element_type3A, %convert_element_type3A_6, %dot_general3A {dimension_numbers = #tpu.dot_dimension_numbers<[1], [1], [0], [0], [0, 0, 1, 0], [], []>, transpose_lhs_hint = false} : vector<256x1024xbf16>, vector<1024x1024xbf16>, vector<256x1024xf32> -> vector<256x1024xf32>
    %dot_general3A_16 = arith.constant dense<0.000000e+00> : vector<256x1024xf32>
    %dot_general3A_17 = tpu.matmul %convert_element_type3A, %convert_element_type3A_10, %dot_general3A_16 {dimension_numbers = #tpu.dot_dimension_numbers<[1], [1], [0], [0], [0, 0, 1, 0], [], []>, transpose_lhs_hint = false} : vector<256x1024xbf16>, vector<1024x1024xbf16>, vector<256x1024xf32> -> vector<256x1024xf32>
    %logistic3A = arith.negf %dot_general3A_15 : vector<256x1024xf32>
    %logistic3A_18 = math.exp %logistic3A : vector<256x1024xf32>
    %logistic3A_19 = arith.constant 1.000000e+00 : f32
    %logistic3A_20 = vector.broadcast %logistic3A_19 : f32 to vector<256x1024xf32>
    %logistic3A_21 = arith.addf %logistic3A_20, %logistic3A_18 : vector<256x1024xf32>
    %logistic3A_22 = arith.divf %logistic3A_20, %logistic3A_21 : vector<256x1024xf32>
    %mul3A_23 = arith.mulf %dot_general3A_15, %logistic3A_22 : vector<256x1024xf32>
    %mul3A_24 = arith.mulf %mul3A_23, %dot_general3A_17 : vector<256x1024xf32>
    %convert_element_type3A_25 = arith.truncf %mul3A_24 : vector<256x1024xf32> to vector<256x1024xbf16>
    %dot_general3A_26 = arith.constant dense<0.000000e+00> : vector<256x1024xf32>
    %dot_general3A_27 = tpu.matmul %convert_element_type3A_25, %convert_element_type3A_14, %dot_general3A_26 {dimension_numbers = #tpu.dot_dimension_numbers<[1], [1], [0], [0], [0, 0, 1, 0], [], []>, transpose_lhs_hint = false} : vector<256x1024xbf16>, vector<1024x1024xbf16>, vector<256x1024xf32> -> vector<256x1024xf32>
    %swap3A = arith.constant 0 : index
    %swap3A_28 = arith.constant 0 : index
    %swap3A_29 = vector.load %arg6[%swap3A, %swap3A_28] : memref<256x1024xf32, #tpu.memory_space<vmem>>, vector<256x1024xf32>
    tpu.vector_store %arg6[%swap3A, %swap3A_28], %dot_general3A_27 {strides = array<i32>} : memref<256x1024xf32, #tpu.memory_space<vmem>>, vector<256x1024xf32>,
    %eq3A = arith.constant 0 : i32
    %eq3A_30 = arith.cmpi eq, %arg0, %eq3A : i32
    %convert_element_type3A_31 = arith.extui %eq3A_30 : i1 to i32
    %cond3A = arith.constant 0 : i32
    %cond3A_32 = arith.cmpi ne, %convert_element_type3A_31, %cond3A : i32
    scf.if %cond3A_32 {
      %get3A_33 = arith.constant 0 : index
      %get3A_34 = arith.constant 0 : index
      %get3A_35 = vector.load %arg1[%get3A_33, %get3A_34] : memref<2048x1024xf32, #tpu.memory_space<vmem>>, vector<2048x1024xf32>
      %get3A_36 = arith.constant 0 : index
      %get3A_37 = arith.constant 0 : index
      %get3A_38 = vector.load %arg2[%get3A_36, %get3A_37] : memref<8x1024xf32, #tpu.memory_space<vmem>>, vector<8x1024xf32>
      %transpose3A = tpu.transpose %get3A_38, [1, 0] : vector<8x1024xf32> -> vector<1024x8xf32>
      %dot_general3A_39 = arith.constant dense<0.000000e+00> : vector<2048x8xf32>
      %dot_general3A_40 = tpu.matmul %get3A_35, %transpose3A, %dot_general3A_39 {dimension_numbers = #tpu.dot_dimension_numbers<[1], [0], [0], [1], [0, 0, 1, 1], [], []>, transpose_lhs_hint = false} : vector<2048x1024xf32>, vector<1024x8xf32>, vector<2048x8xf32> -> vector<2048x8xf32>
      %custom_jvp_call3A = arith.constant 0.000000e+00 : f32
      %max3A = vector.broadcast %custom_jvp_call3A : f32 to vector<2048x8xf32>
      %max3A_41 = arith.maximumf %dot_general3A_40, %max3A : vector<2048x8xf32>
      %sub3A = vector.broadcast %custom_jvp_call3A : f32 to vector<2048x8xf32>
      %sub3A_42 = arith.subf %dot_general3A_40, %sub3A : vector<2048x8xf32>
      %ne3A = arith.cmpf one, %sub3A_42, %sub3A_42 : vector<2048x8xf32>
      %add3A = vector.broadcast %custom_jvp_call3A : f32 to vector<2048x8xf32>
      %add3A_43 = arith.addf %dot_general3A_40, %add3A : vector<2048x8xf32>
      %abs3A = math.absf %sub3A_42 : vector<2048x8xf32>
      %neg3A = arith.constant 0.000000e+00 : f32
      %neg3A_44 = vector.broadcast %neg3A : f32 to vector<2048x8xf32>
      %neg3A_45 = arith.subf %neg3A_44, %abs3A : vector<2048x8xf32>
      %exp3A = math.exp %neg3A_45 : vector<2048x8xf32>
      %log1p3A = math.log1p %exp3A : vector<2048x8xf32>
      %add3A_46 = arith.addf %max3A_41, %log1p3A : vector<2048x8xf32>
      %select_n3A = arith.select %ne3A, %add3A_43, %add3A_46 : vector<2048x8xi1>, vector<2048x8xf32>
      %sqrt3A = math.sqrt %select_n3A : vector<2048x8xf32>
      %iota3A = tpu.iota {dimensions = array<i32: 1>} : vector<2048x8xi32>
      %reduce_max3A = arith.constant dense<0xFF800000> : vector<2048xf32>
      %reduce_max3A_47 = vector.multi_reduction <maximumf>, %sqrt3A, %reduce_max3A [1] : vector<2048x8xf32> to vector<2048xf32>
      %broadcast_in_dim3A = vector.shape_cast %reduce_max3A_47 : vector<2048xf32> to vector<2048x1xf32>
      %eq3A_48 = vector.broadcast %broadcast_in_dim3A : vector<2048x1xf32> to vector<2048x8xf32>
      %eq3A_49 = arith.cmpf oeq, %sqrt3A, %eq3A_48 : vector<2048x8xf32>
      %jit3A = arith.constant 8 : i32
      %broadcast_in_dim3A_50 = vector.broadcast %jit3A : i32 to vector<2048x8xi32>
      %select_n3A_51 = arith.select %eq3A_49, %iota3A, %broadcast_in_dim3A_50 : vector<2048x8xi1>, vector<2048x8xi32>
      %reduce_min3A = arith.constant dense<2147483647> : vector<2048xi32>
      %reduce_min3A_52 = vector.multi_reduction <minsi>, %select_n3A_51, %reduce_min3A [1] : vector<2048x8xi32> to vector<2048xi32>
      %broadcast_in_dim3A_53 = vector.shape_cast %reduce_min3A_52 : vector<2048xi32> to vector<2048x1xi32>
      %eq3A_54 = vector.broadcast %broadcast_in_dim3A_53 : vector<2048x1xi32> to vector<2048x8xi32>
      %eq3A_55 = arith.cmpi eq, %iota3A, %eq3A_54 : vector<2048x8xi32>
      %jit3A_56 = arith.constant 0xFF800000 : f32
      %broadcast_in_dim3A_57 = vector.broadcast %jit3A_56 : f32 to vector<2048x8xf32>
      %select_n3A_58 = arith.select %eq3A_55, %broadcast_in_dim3A_57, %sqrt3A : vector<2048x8xi1>, vector<2048x8xf32>
      %reduce_max3A_59 = arith.constant dense<0xFF800000> : vector<2048xf32>
      %reduce_max3A_60 = vector.multi_reduction <maximumf>, %select_n3A_58, %reduce_max3A_59 [1] : vector<2048x8xf32> to vector<2048xf32>
      %broadcast_in_dim3A_61 = vector.shape_cast %reduce_max3A_60 : vector<2048xf32> to vector<2048x1xf32>
      %eq3A_62 = vector.broadcast %broadcast_in_dim3A_61 : vector<2048x1xf32> to vector<2048x8xf32>
      %eq3A_63 = arith.cmpf oeq, %select_n3A_58, %eq3A_62 : vector<2048x8xf32>
      %jit3A_64 = arith.constant 8 : i32
      %broadcast_in_dim3A_65 = vector.broadcast %jit3A_64 : i32 to vector<2048x8xi32>
      %select_n3A_66 = arith.select %eq3A_63, %iota3A, %broadcast_in_dim3A_65 : vector<2048x8xi1>, vector<2048x8xi32>
      %reduce_min3A_67 = arith.constant dense<2147483647> : vector<2048xi32>
      %reduce_min3A_68 = vector.multi_reduction <minsi>, %select_n3A_66, %reduce_min3A_67 [1] : vector<2048x8xi32> to vector<2048xi32>
      %broadcast_in_dim3A_69 = vector.shape_cast %reduce_min3A_68 : vector<2048xi32> to vector<2048x1xi32>
      %add3A_70 = arith.addf %broadcast_in_dim3A, %broadcast_in_dim3A_61 : vector<2048x1xf32>
      %iota3A_71 = tpu.iota {dimensions = array<i32: 1>} : vector<2048x2xi32>
      %eq3A_72 = arith.constant 0 : i32
      %eq3A_73 = vector.broadcast %eq3A_72 : i32 to vector<2048x2xi32>
      %eq3A_74 = arith.cmpi eq, %iota3A_71, %eq3A_73 : vector<2048x2xi32>
      %broadcast_in_dim3A_75 = vector.shape_cast %broadcast_in_dim3A : vector<2048x1xf32> to vector<2048x1xf32>
      %broadcast_in_dim3A_76 = vector.broadcast %broadcast_in_dim3A_75 : vector<2048x1xf32> to vector<2048x2xf32>
      %broadcast_in_dim3A_77 = vector.shape_cast %broadcast_in_dim3A_61 : vector<2048x1xf32> to vector<2048x1xf32>
      %broadcast_in_dim3A_78 = vector.broadcast %broadcast_in_dim3A_77 : vector<2048x1xf32> to vector<2048x2xf32>
      %select_n3A_79 = arith.select %eq3A_74, %broadcast_in_dim3A_76, %broadcast_in_dim3A_78 : vector<2048x2xi1>, vector<2048x2xf32>
      %div3A = arith.constant 2.500000e+00 : f32
      %div3A_80 = vector.broadcast %div3A : f32 to vector<2048x1xf32>
      %div3A_81 = arith.divf %div3A_80, %add3A_70 : vector<2048x1xf32>
      %mul3A_82 = vector.broadcast %div3A_81 : vector<2048x1xf32> to vector<2048x2xf32>
      %mul3A_83 = arith.mulf %select_n3A_79, %mul3A_82 : vector<2048x2xf32>
      %swap3A_84 = arith.constant 0 : index
      %swap3A_85 = arith.constant 0 : index
      %swap3A_86 = vector.load %arg8[%swap3A_84, %swap3A_85] : memref<2048x2xf32, #tpu.memory_space<vmem>>, vector<2048x2xf32>
      tpu.vector_store %arg8[%swap3A_84, %swap3A_85], %mul3A_83 {strides = array<i32>} : memref<2048x2xf32, #tpu.memory_space<vmem>>, vector<2048x2xf32>,
      %eq3A_87 = vector.broadcast %broadcast_in_dim3A_53 : vector<2048x1xi32> to vector<2048x8xi32>
      %eq3A_88 = arith.cmpi eq, %iota3A, %eq3A_87 : vector<2048x8xi32>
      %convert_element_type3A_89 = arith.extui %eq3A_88 : vector<2048x8xi1> to vector<2048x8xi32>
      %convert_element_type3A_90 = arith.sitofp %convert_element_type3A_89 : vector<2048x8xi32> to vector<2048x8xf32>
      %swap3A_91 = arith.constant 0 : index
      %swap3A_92 = arith.constant 0 : index
      %swap3A_93 = vector.load %arg10[%swap3A_91, %swap3A_92] : memref<4096x8xf32, #tpu.memory_space<vmem>>, vector<2048x8xf32>
      tpu.vector_store %arg10[%swap3A_91, %swap3A_92], %convert_element_type3A_90 {strides = array<i32>} : memref<4096x8xf32, #tpu.memory_space<vmem>>, vector<2048x8xf32>,
      %eq3A_94 = vector.broadcast %broadcast_in_dim3A_69 : vector<2048x1xi32> to vector<2048x8xi32>
      %eq3A_95 = arith.cmpi eq, %iota3A, %eq3A_94 : vector<2048x8xi32>
      %convert_element_type3A_96 = arith.extui %eq3A_95 : vector<2048x8xi1> to vector<2048x8xi32>
      %convert_element_type3A_97 = arith.sitofp %convert_element_type3A_96 : vector<2048x8xi32> to vector<2048x8xf32>
      %swap3A_98 = arith.constant 2048 : index
      %swap3A_99 = arith.constant 0 : index
      %swap3A_100 = vector.load %arg10[%swap3A_98, %swap3A_99] : memref<4096x8xf32, #tpu.memory_space<vmem>>, vector<2048x8xf32>
      tpu.vector_store %arg10[%swap3A_98, %swap3A_99], %convert_element_type3A_97 {strides = array<i32>} : memref<4096x8xf32, #tpu.memory_space<vmem>>, vector<2048x8xf32>,
      %iota3A_101 = tpu.iota {dimensions = array<i32: 0>} : vector<16x4096xi32>
      %iota3A_102 = tpu.iota {dimensions = array<i32: 1>} : vector<16x4096xi32>
      %jit3A_103 = arith.constant 256 : i32
      %div3A_104 = vector.broadcast %jit3A_103 : i32 to vector<16x4096xi32>
      %div3A_105 = arith.divsi %iota3A_102, %div3A_104 : vector<16x4096xi32>
      %sign3A = arith.constant 0 : i32
      %sign3A_106 = vector.broadcast %sign3A : i32 to vector<16x4096xi32>
      %sign3A_107 = arith.cmpi sgt, %iota3A_102, %sign3A_106 : vector<16x4096xi32>
      %sign3A_108 = arith.extui %sign3A_107 : vector<16x4096xi1> to vector<16x4096xi32>
      %sign3A_109 = arith.constant 0 : i32
      %sign3A_110 = vector.broadcast %sign3A_109 : i32 to vector<16x4096xi32>
      %sign3A_111 = arith.cmpi slt, %iota3A_102, %sign3A_110 : vector<16x4096xi32>
      %sign3A_112 = arith.extui %sign3A_111 : vector<16x4096xi1> to vector<16x4096xi32>
      %sign3A_113 = arith.subi %sign3A_108, %sign3A_112 : vector<16x4096xi32>
      %sign3A_114 = arith.constant 0 : i32
      %sign3A_115 = arith.cmpi sgt, %jit3A_103, %sign3A_114 : i32
      %sign3A_116 = arith.extui %sign3A_115 : i1 to i32
      %sign3A_117 = arith.constant 0 : i32
      %sign3A_118 = arith.cmpi slt, %jit3A_103, %sign3A_117 : i32
      %sign3A_119 = arith.extui %sign3A_118 : i1 to i32
      %sign3A_120 = arith.subi %sign3A_116, %sign3A_119 : i32
      %ne3A_121 = vector.broadcast %sign3A_120 : i32 to vector<16x4096xi32>
      %ne3A_122 = arith.cmpi ne, %sign3A_113, %ne3A_121 : vector<16x4096xi32>
      %rem3A = vector.broadcast %jit3A_103 : i32 to vector<16x4096xi32>
      %rem3A_123 = arith.remsi %iota3A_102, %rem3A : vector<16x4096xi32>
      %ne3A_124 = arith.constant 0 : i32
      %ne3A_125 = vector.broadcast %ne3A_124 : i32 to vector<16x4096xi32>
      %ne3A_126 = arith.cmpi ne, %rem3A_123, %ne3A_125 : vector<16x4096xi32>
      %and3A = arith.andi %ne3A_122, %ne3A_126 : vector<16x4096xi1>
      %sub3A_127 = arith.constant 1 : i32
      %sub3A_128 = vector.broadcast %sub3A_127 : i32 to vector<16x4096xi32>
      %sub3A_129 = arith.subi %div3A_105, %sub3A_128 : vector<16x4096xi32>
      %select_n3A_130 = arith.select %and3A, %sub3A_129, %div3A_105 : vector<16x4096xi1>, vector<16x4096xi32>
      %eq3A_131 = arith.cmpi eq, %iota3A_101, %select_n3A_130 : vector<16x4096xi32>
      %convert_element_type3A_132 = arith.extui %eq3A_131 : vector<16x4096xi1> to vector<16x4096xi32>
      %convert_element_type3A_133 = arith.sitofp %convert_element_type3A_132 : vector<16x4096xi32> to vector<16x4096xf32>
      %get3A_134 = arith.constant 0 : index
      %get3A_135 = arith.constant 0 : index
      %get3A_136 = vector.load %arg10[%get3A_134, %get3A_135] : memref<4096x8xf32, #tpu.memory_space<vmem>>, vector<4096x8xf32>
      %dot_general3A_137 = arith.constant dense<0.000000e+00> : vector<16x8xf32>
      %dot_general3A_138 = tpu.matmul %convert_element_type3A_133, %get3A_136, %dot_general3A_137 {dimension_numbers = #tpu.dot_dimension_numbers<[1], [0], [0], [1], [0, 0, 1, 1], [], []>, transpose_lhs_hint = false} : vector<16x4096xf32>, vector<4096x8xf32>, vector<16x8xf32> -> vector<16x8xf32>
      %iota3A_139 = tpu.iota {dimensions = array<i32: 0>} : vector<16x16xi32>
      %iota3A_140 = tpu.iota {dimensions = array<i32: 1>} : vector<16x16xi32>
      %gt3A = arith.cmpi sgt, %iota3A_139, %iota3A_140 : vector<16x16xi32>
      %convert_element_type3A_141 = arith.extui %gt3A : vector<16x16xi1> to vector<16x16xi32>
      %convert_element_type3A_142 = arith.sitofp %convert_element_type3A_141 : vector<16x16xi32> to vector<16x16xf32>
      %dot_general3A_143 = arith.constant dense<0.000000e+00> : vector<16x8xf32>
      %dot_general3A_144 = tpu.matmul %convert_element_type3A_142, %dot_general3A_138, %dot_general3A_143 {dimension_numbers = #tpu.dot_dimension_numbers<[1], [0], [0], [1], [0, 0, 1, 1], [], []>, transpose_lhs_hint = false} : vector<16x16xf32>, vector<16x8xf32>, vector<16x8xf32> -> vector<16x8xf32>
      %iota3A_145 = tpu.iota {dimensions = array<i32: 0>} : vector<256x256xi32>
      %iota3A_146 = tpu.iota {dimensions = array<i32: 1>} : vector<256x256xi32>
      %gt3A_147 = arith.cmpi sgt, %iota3A_145, %iota3A_146 : vector<256x256xi32>
      %convert_element_type3A_148 = arith.extui %gt3A_147 : vector<256x256xi1> to vector<256x256xi32>
      %convert_element_type3A_149 = arith.sitofp %convert_element_type3A_148 : vector<256x256xi32> to vector<256x256xf32>
      %get3A_150 = arith.constant 0 : index
      %get3A_151 = arith.constant 0 : index
      %get3A_152 = vector.load %arg10[%get3A_150, %get3A_151] : memref<4096x8xf32, #tpu.memory_space<vmem>>, vector<256x8xf32>
      %dot_general3A_153 = arith.constant dense<0.000000e+00> : vector<256x8xf32>
      %dot_general3A_154 = tpu.matmul %convert_element_type3A_149, %get3A_152, %dot_general3A_153 {dimension_numbers = #tpu.dot_dimension_numbers<[1], [0], [0], [1], [0, 0, 1, 1], [], []>, transpose_lhs_hint = false} : vector<256x256xf32>, vector<256x8xf32>, vector<256x8xf32> -> vector<256x8xf32>
      %slice3A = vector.extract_strided_slice %dot_general3A_144 {offsets = [0, 0], sizes = [1, 8], strides = [1, 1]} : vector<16x8xf32> to vector<1x8xf32>
      %add3A_155 = vector.broadcast %slice3A : vector<1x8xf32> to vector<256x8xf32>
      %add3A_156 = arith.addf %dot_general3A_154, %add3A_155 : vector<256x8xf32>
      %swap3A_157 = arith.constant 0 : index
      %swap3A_158 = arith.constant 0 : index
      %swap3A_159 = vector.load %arg11[%swap3A_157, %swap3A_158] : memref<4096x8xf32, #tpu.memory_space<vmem>>, vector<256x8xf32>
      tpu.vector_store %arg11[%swap3A_157, %swap3A_158], %add3A_156 {strides = array<i32>} : memref<4096x8xf32, #tpu.memory_space<vmem>>, vector<256x8xf32>,
      %get3A_160 = arith.constant 256 : index
      %get3A_161 = arith.constant 0 : index
      %get3A_162 = vector.load %arg10[%get3A_160, %get3A_161] : memref<4096x8xf32, #tpu.memory_space<vmem>>, vector<256x8xf32>
      %dot_general3A_163 = arith.constant dense<0.000000e+00> : vector<256x8xf32>
      %dot_general3A_164 = tpu.matmul %convert_element_type3A_149, %get3A_162, %dot_general3A_163 {dimension_numbers = #tpu.dot_dimension_numbers<[1], [0], [0], [1], [0, 0, 1, 1], [], []>, transpose_lhs_hint = false} : vector<256x256xf32>, vector<256x8xf32>, vector<256x8xf32> -> vector<256x8xf32>
      %slice3A_165 = vector.extract_strided_slice %dot_general3A_144 {offsets = [1, 0], sizes = [1, 8], strides = [1, 1]} : vector<16x8xf32> to vector<1x8xf32>
      %add3A_166 = vector.broadcast %slice3A_165 : vector<1x8xf32> to vector<256x8xf32>
      %add3A_167 = arith.addf %dot_general3A_164, %add3A_166 : vector<256x8xf32>
      %swap3A_168 = arith.constant 256 : index
      %swap3A_169 = arith.constant 0 : index
      %swap3A_170 = vector.load %arg11[%swap3A_168, %swap3A_169] : memref<4096x8xf32, #tpu.memory_space<vmem>>, vector<256x8xf32>
      tpu.vector_store %arg11[%swap3A_168, %swap3A_169], %add3A_167 {strides = array<i32>} : memref<4096x8xf32, #tpu.memory_space<vmem>>, vector<256x8xf32>,
      %get3A_171 = arith.constant 512 : index
      %get3A_172 = arith.constant 0 : index
      %get3A_173 = vector.load %arg10[%get3A_171, %get3A_172] : memref<4096x8xf32, #tpu.memory_space<vmem>>, vector<256x8xf32>
      %dot_general3A_174 = arith.constant dense<0.000000e+00> : vector<256x8xf32>
      %dot_general3A_175 = tpu.matmul %convert_element_type3A_149, %get3A_173, %dot_general3A_174 {dimension_numbers = #tpu.dot_dimension_numbers<[1], [0], [0], [1], [0, 0, 1, 1], [], []>, transpose_lhs_hint = false} : vector<256x256xf32>, vector<256x8xf32>, vector<256x8xf32> -> vector<256x8xf32>
      %slice3A_176 = vector.extract_strided_slice %dot_general3A_144 {offsets = [2, 0], sizes = [1, 8], strides = [1, 1]} : vector<16x8xf32> to vector<1x8xf32>
      %add3A_177 = vector.broadcast %slice3A_176 : vector<1x8xf32> to vector<256x8xf32>
      %add3A_178 = arith.addf %dot_general3A_175, %add3A_177 : vector<256x8xf32>
      %swap3A_179 = arith.constant 512 : index
      %swap3A_180 = arith.constant 0 : index
      %swap3A_181 = vector.load %arg11[%swap3A_179, %swap3A_180] : memref<4096x8xf32, #tpu.memory_space<vmem>>, vector<256x8xf32>
      tpu.vector_store %arg11[%swap3A_179, %swap3A_180], %add3A_178 {strides = array<i32>} : memref<4096x8xf32, #tpu.memory_space<vmem>>, vector<256x8xf32>,
      %get3A_182 = arith.constant 768 : index
      %get3A_183 = arith.constant 0 : index
      %get3A_184 = vector.load %arg10[%get3A_182, %get3A_183] : memref<4096x8xf32, #tpu.memory_space<vmem>>, vector<256x8xf32>
      %dot_general3A_185 = arith.constant dense<0.000000e+00> : vector<256x8xf32>
      %dot_general3A_186 = tpu.matmul %convert_element_type3A_149, %get3A_184, %dot_general3A_185 {dimension_numbers = #tpu.dot_dimension_numbers<[1], [0], [0], [1], [0, 0, 1, 1], [], []>, transpose_lhs_hint = false} : vector<256x256xf32>, vector<256x8xf32>, vector<256x8xf32> -> vector<256x8xf32>
      %slice3A_187 = vector.extract_strided_slice %dot_general3A_144 {offsets = [3, 0], sizes = [1, 8], strides = [1, 1]} : vector<16x8xf32> to vector<1x8xf32>
      %add3A_188 = vector.broadcast %slice3A_187 : vector<1x8xf32> to vector<256x8xf32>
      %add3A_189 = arith.addf %dot_general3A_186, %add3A_188 : vector<256x8xf32>
      %swap3A_190 = arith.constant 768 : index
      %swap3A_191 = arith.constant 0 : index
      %swap3A_192 = vector.load %arg11[%swap3A_190, %swap3A_191] : memref<4096x8xf32, #tpu.memory_space<vmem>>, vector<256x8xf32>
      tpu.vector_store %arg11[%swap3A_190, %swap3A_191], %add3A_189 {strides = array<i32>} : memref<4096x8xf32, #tpu.memory_space<vmem>>, vector<256x8xf32>,
      %get3A_193 = arith.constant 1024 : index
      %get3A_194 = arith.constant 0 : index
      %get3A_195 = vector.load %arg10[%get3A_193, %get3A_194] : memref<4096x8xf32, #tpu.memory_space<vmem>>, vector<256x8xf32>
      %dot_general3A_196 = arith.constant dense<0.000000e+00> : vector<256x8xf32>
      %dot_general3A_197 = tpu.matmul %convert_element_type3A_149, %get3A_195, %dot_general3A_196 {dimension_numbers = #tpu.dot_dimension_numbers<[1], [0], [0], [1], [0, 0, 1, 1], [], []>, transpose_lhs_hint = false} : vector<256x256xf32>, vector<256x8xf32>, vector<256x8xf32> -> vector<256x8xf32>
      %slice3A_198 = vector.extract_strided_slice %dot_general3A_144 {offsets = [4, 0], sizes = [1, 8], strides = [1, 1]} : vector<16x8xf32> to vector<1x8xf32>
      %add3A_199 = vector.broadcast %slice3A_198 : vector<1x8xf32> to vector<256x8xf32>
      %add3A_200 = arith.addf %dot_general3A_197, %add3A_199 : vector<256x8xf32>
      %swap3A_201 = arith.constant 1024 : index
      %swap3A_202 = arith.constant 0 : index
      %swap3A_203 = vector.load %arg11[%swap3A_201, %swap3A_202] : memref<4096x8xf32, #tpu.memory_space<vmem>>, vector<256x8xf32>
      tpu.vector_store %arg11[%swap3A_201, %swap3A_202], %add3A_200 {strides = array<i32>} : memref<4096x8xf32, #tpu.memory_space<vmem>>, vector<256x8xf32>,
      %get3A_204 = arith.constant 1280 : index
      %get3A_205 = arith.constant 0 : index
      %get3A_206 = vector.load %arg10[%get3A_204, %get3A_205] : memref<4096x8xf32, #tpu.memory_space<vmem>>, vector<256x8xf32>
      %dot_general3A_207 = arith.constant dense<0.000000e+00> : vector<256x8xf32>
      %dot_general3A_208 = tpu.matmul %convert_element_type3A_149, %get3A_206, %dot_general3A_207 {dimension_numbers = #tpu.dot_dimension_numbers<[1], [0], [0], [1], [0, 0, 1, 1], [], []>, transpose_lhs_hint = false} : vector<256x256xf32>, vector<256x8xf32>, vector<256x8xf32> -> vector<256x8xf32>
      %slice3A_209 = vector.extract_strided_slice %dot_general3A_144 {offsets = [5, 0], sizes = [1, 8], strides = [1, 1]} : vector<16x8xf32> to vector<1x8xf32>
      %add3A_210 = vector.broadcast %slice3A_209 : vector<1x8xf32> to vector<256x8xf32>
      %add3A_211 = arith.addf %dot_general3A_208, %add3A_210 : vector<256x8xf32>
      %swap3A_212 = arith.constant 1280 : index
      %swap3A_213 = arith.constant 0 : index
      %swap3A_214 = vector.load %arg11[%swap3A_212, %swap3A_213] : memref<4096x8xf32, #tpu.memory_space<vmem>>, vector<256x8xf32>
      tpu.vector_store %arg11[%swap3A_212, %swap3A_213], %add3A_211 {strides = array<i32>} : memref<4096x8xf32, #tpu.memory_space<vmem>>, vector<256x8xf32>,
      %get3A_215 = arith.constant 1536 : index
      %get3A_216 = arith.constant 0 : index
      %get3A_217 = vector.load %arg10[%get3A_215, %get3A_216] : memref<4096x8xf32, #tpu.memory_space<vmem>>, vector<256x8xf32>
      %dot_general3A_218 = arith.constant dense<0.000000e+00> : vector<256x8xf32>
      %dot_general3A_219 = tpu.matmul %convert_element_type3A_149, %get3A_217, %dot_general3A_218 {dimension_numbers = #tpu.dot_dimension_numbers<[1], [0], [0], [1], [0, 0, 1, 1], [], []>, transpose_lhs_hint = false} : vector<256x256xf32>, vector<256x8xf32>, vector<256x8xf32> -> vector<256x8xf32>
      %slice3A_220 = vector.extract_strided_slice %dot_general3A_144 {offsets = [6, 0], sizes = [1, 8], strides = [1, 1]} : vector<16x8xf32> to vector<1x8xf32>
      %add3A_221 = vector.broadcast %slice3A_220 : vector<1x8xf32> to vector<256x8xf32>
      %add3A_222 = arith.addf %dot_general3A_219, %add3A_221 : vector<256x8xf32>
      %swap3A_223 = arith.constant 1536 : index
      %swap3A_224 = arith.constant 0 : index
      %swap3A_225 = vector.load %arg11[%swap3A_223, %swap3A_224] : memref<4096x8xf32, #tpu.memory_space<vmem>>, vector<256x8xf32>
      tpu.vector_store %arg11[%swap3A_223, %swap3A_224], %add3A_222 {strides = array<i32>} : memref<4096x8xf32, #tpu.memory_space<vmem>>, vector<256x8xf32>,
      %get3A_226 = arith.constant 1792 : index
      %get3A_227 = arith.constant 0 : index
      %get3A_228 = vector.load %arg10[%get3A_226, %get3A_227] : memref<4096x8xf32, #tpu.memory_space<vmem>>, vector<256x8xf32>
      %dot_general3A_229 = arith.constant dense<0.000000e+00> : vector<256x8xf32>
      %dot_general3A_230 = tpu.matmul %convert_element_type3A_149, %get3A_228, %dot_general3A_229 {dimension_numbers = #tpu.dot_dimension_numbers<[1], [0], [0], [1], [0, 0, 1, 1], [], []>, transpose_lhs_hint = false} : vector<256x256xf32>, vector<256x8xf32>, vector<256x8xf32> -> vector<256x8xf32>
      %slice3A_231 = vector.extract_strided_slice %dot_general3A_144 {offsets = [7, 0], sizes = [1, 8], strides = [1, 1]} : vector<16x8xf32> to vector<1x8xf32>
      %add3A_232 = vector.broadcast %slice3A_231 : vector<1x8xf32> to vector<256x8xf32>
      %add3A_233 = arith.addf %dot_general3A_230, %add3A_232 : vector<256x8xf32>
      %swap3A_234 = arith.constant 1792 : index
      %swap3A_235 = arith.constant 0 : index
      %swap3A_236 = vector.load %arg11[%swap3A_234, %swap3A_235] : memref<4096x8xf32, #tpu.memory_space<vmem>>, vector<256x8xf32>
      tpu.vector_store %arg11[%swap3A_234, %swap3A_235], %add3A_233 {strides = array<i32>} : memref<4096x8xf32, #tpu.memory_space<vmem>>, vector<256x8xf32>,
      %get3A_237 = arith.constant 2048 : index
      %get3A_238 = arith.constant 0 : index
      %get3A_239 = vector.load %arg10[%get3A_237, %get3A_238] : memref<4096x8xf32, #tpu.memory_space<vmem>>, vector<256x8xf32>
      %dot_general3A_240 = arith.constant dense<0.000000e+00> : vector<256x8xf32>
      %dot_general3A_241 = tpu.matmul %convert_element_type3A_149, %get3A_239, %dot_general3A_240 {dimension_numbers = #tpu.dot_dimension_numbers<[1], [0], [0], [1], [0, 0, 1, 1], [], []>, transpose_lhs_hint = false} : vector<256x256xf32>, vector<256x8xf32>, vector<256x8xf32> -> vector<256x8xf32>
      %slice3A_242 = vector.extract_strided_slice %dot_general3A_144 {offsets = [8, 0], sizes = [1, 8], strides = [1, 1]} : vector<16x8xf32> to vector<1x8xf32>
      %add3A_243 = vector.broadcast %slice3A_242 : vector<1x8xf32> to vector<256x8xf32>
      %add3A_244 = arith.addf %dot_general3A_241, %add3A_243 : vector<256x8xf32>
      %swap3A_245 = arith.constant 2048 : index
      %swap3A_246 = arith.constant 0 : index
      %swap3A_247 = vector.load %arg11[%swap3A_245, %swap3A_246] : memref<4096x8xf32, #tpu.memory_space<vmem>>, vector<256x8xf32>
      tpu.vector_store %arg11[%swap3A_245, %swap3A_246], %add3A_244 {strides = array<i32>} : memref<4096x8xf32, #tpu.memory_space<vmem>>, vector<256x8xf32>,
      %get3A_248 = arith.constant 2304 : index
      %get3A_249 = arith.constant 0 : index
      %get3A_250 = vector.load %arg10[%get3A_248, %get3A_249] : memref<4096x8xf32, #tpu.memory_space<vmem>>, vector<256x8xf32>
      %dot_general3A_251 = arith.constant dense<0.000000e+00> : vector<256x8xf32>
      %dot_general3A_252 = tpu.matmul %convert_element_type3A_149, %get3A_250, %dot_general3A_251 {dimension_numbers = #tpu.dot_dimension_numbers<[1], [0], [0], [1], [0, 0, 1, 1], [], []>, transpose_lhs_hint = false} : vector<256x256xf32>, vector<256x8xf32>, vector<256x8xf32> -> vector<256x8xf32>
      %slice3A_253 = vector.extract_strided_slice %dot_general3A_144 {offsets = [9, 0], sizes = [1, 8], strides = [1, 1]} : vector<16x8xf32> to vector<1x8xf32>
      %add3A_254 = vector.broadcast %slice3A_253 : vector<1x8xf32> to vector<256x8xf32>
      %add3A_255 = arith.addf %dot_general3A_252, %add3A_254 : vector<256x8xf32>
      %swap3A_256 = arith.constant 2304 : index
      %swap3A_257 = arith.constant 0 : index
      %swap3A_258 = vector.load %arg11[%swap3A_256, %swap3A_257] : memref<4096x8xf32, #tpu.memory_space<vmem>>, vector<256x8xf32>
      tpu.vector_store %arg11[%swap3A_256, %swap3A_257], %add3A_255 {strides = array<i32>} : memref<4096x8xf32, #tpu.memory_space<vmem>>, vector<256x8xf32>,
      %get3A_259 = arith.constant 2560 : index
      %get3A_260 = arith.constant 0 : index
      %get3A_261 = vector.load %arg10[%get3A_259, %get3A_260] : memref<4096x8xf32, #tpu.memory_space<vmem>>, vector<256x8xf32>
      %dot_general3A_262 = arith.constant dense<0.000000e+00> : vector<256x8xf32>
      %dot_general3A_263 = tpu.matmul %convert_element_type3A_149, %get3A_261, %dot_general3A_262 {dimension_numbers = #tpu.dot_dimension_numbers<[1], [0], [0], [1], [0, 0, 1, 1], [], []>, transpose_lhs_hint = false} : vector<256x256xf32>, vector<256x8xf32>, vector<256x8xf32> -> vector<256x8xf32>
      %slice3A_264 = vector.extract_strided_slice %dot_general3A_144 {offsets = [10, 0], sizes = [1, 8], strides = [1, 1]} : vector<16x8xf32> to vector<1x8xf32>
      %add3A_265 = vector.broadcast %slice3A_264 : vector<1x8xf32> to vector<256x8xf32>
      %add3A_266 = arith.addf %dot_general3A_263, %add3A_265 : vector<256x8xf32>
      %swap3A_267 = arith.constant 2560 : index
      %swap3A_268 = arith.constant 0 : index
      %swap3A_269 = vector.load %arg11[%swap3A_267, %swap3A_268] : memref<4096x8xf32, #tpu.memory_space<vmem>>, vector<256x8xf32>
      tpu.vector_store %arg11[%swap3A_267, %swap3A_268], %add3A_266 {strides = array<i32>} : memref<4096x8xf32, #tpu.memory_space<vmem>>, vector<256x8xf32>,
      %get3A_270 = arith.constant 2816 : index
      %get3A_271 = arith.constant 0 : index
      %get3A_272 = vector.load %arg10[%get3A_270, %get3A_271] : memref<4096x8xf32, #tpu.memory_space<vmem>>, vector<256x8xf32>
      %dot_general3A_273 = arith.constant dense<0.000000e+00> : vector<256x8xf32>
      %dot_general3A_274 = tpu.matmul %convert_element_type3A_149, %get3A_272, %dot_general3A_273 {dimension_numbers = #tpu.dot_dimension_numbers<[1], [0], [0], [1], [0, 0, 1, 1], [], []>, transpose_lhs_hint = false} : vector<256x256xf32>, vector<256x8xf32>, vector<256x8xf32> -> vector<256x8xf32>
      %slice3A_275 = vector.extract_strided_slice %dot_general3A_144 {offsets = [11, 0], sizes = [1, 8], strides = [1, 1]} : vector<16x8xf32> to vector<1x8xf32>
      %add3A_276 = vector.broadcast %slice3A_275 : vector<1x8xf32> to vector<256x8xf32>
      %add3A_277 = arith.addf %dot_general3A_274, %add3A_276 : vector<256x8xf32>
      %swap3A_278 = arith.constant 2816 : index
      %swap3A_279 = arith.constant 0 : index
      %swap3A_280 = vector.load %arg11[%swap3A_278, %swap3A_279] : memref<4096x8xf32, #tpu.memory_space<vmem>>, vector<256x8xf32>
      tpu.vector_store %arg11[%swap3A_278, %swap3A_279], %add3A_277 {strides = array<i32>} : memref<4096x8xf32, #tpu.memory_space<vmem>>, vector<256x8xf32>,
      %get3A_281 = arith.constant 3072 : index
      %get3A_282 = arith.constant 0 : index
      %get3A_283 = vector.load %arg10[%get3A_281, %get3A_282] : memref<4096x8xf32, #tpu.memory_space<vmem>>, vector<256x8xf32>
      %dot_general3A_284 = arith.constant dense<0.000000e+00> : vector<256x8xf32>
      %dot_general3A_285 = tpu.matmul %convert_element_type3A_149, %get3A_283, %dot_general3A_284 {dimension_numbers = #tpu.dot_dimension_numbers<[1], [0], [0], [1], [0, 0, 1, 1], [], []>, transpose_lhs_hint = false} : vector<256x256xf32>, vector<256x8xf32>, vector<256x8xf32> -> vector<256x8xf32>
      %slice3A_286 = vector.extract_strided_slice %dot_general3A_144 {offsets = [12, 0], sizes = [1, 8], strides = [1, 1]} : vector<16x8xf32> to vector<1x8xf32>
      %add3A_287 = vector.broadcast %slice3A_286 : vector<1x8xf32> to vector<256x8xf32>
      %add3A_288 = arith.addf %dot_general3A_285, %add3A_287 : vector<256x8xf32>
      %swap3A_289 = arith.constant 3072 : index
      %swap3A_290 = arith.constant 0 : index
      %swap3A_291 = vector.load %arg11[%swap3A_289, %swap3A_290] : memref<4096x8xf32, #tpu.memory_space<vmem>>, vector<256x8xf32>
      tpu.vector_store %arg11[%swap3A_289, %swap3A_290], %add3A_288 {strides = array<i32>} : memref<4096x8xf32, #tpu.memory_space<vmem>>, vector<256x8xf32>,
      %get3A_292 = arith.constant 3328 : index
      %get3A_293 = arith.constant 0 : index
      %get3A_294 = vector.load %arg10[%get3A_292, %get3A_293] : memref<4096x8xf32, #tpu.memory_space<vmem>>, vector<256x8xf32>
      %dot_general3A_295 = arith.constant dense<0.000000e+00> : vector<256x8xf32>
      %dot_general3A_296 = tpu.matmul %convert_element_type3A_149, %get3A_294, %dot_general3A_295 {dimension_numbers = #tpu.dot_dimension_numbers<[1], [0], [0], [1], [0, 0, 1, 1], [], []>, transpose_lhs_hint = false} : vector<256x256xf32>, vector<256x8xf32>, vector<256x8xf32> -> vector<256x8xf32>
      %slice3A_297 = vector.extract_strided_slice %dot_general3A_144 {offsets = [13, 0], sizes = [1, 8], strides = [1, 1]} : vector<16x8xf32> to vector<1x8xf32>
      %add3A_298 = vector.broadcast %slice3A_297 : vector<1x8xf32> to vector<256x8xf32>
      %add3A_299 = arith.addf %dot_general3A_296, %add3A_298 : vector<256x8xf32>
      %swap3A_300 = arith.constant 3328 : index
      %swap3A_301 = arith.constant 0 : index
      %swap3A_302 = vector.load %arg11[%swap3A_300, %swap3A_301] : memref<4096x8xf32, #tpu.memory_space<vmem>>, vector<256x8xf32>
      tpu.vector_store %arg11[%swap3A_300, %swap3A_301], %add3A_299 {strides = array<i32>} : memref<4096x8xf32, #tpu.memory_space<vmem>>, vector<256x8xf32>,
      %get3A_303 = arith.constant 3584 : index
      %get3A_304 = arith.constant 0 : index
      %get3A_305 = vector.load %arg10[%get3A_303, %get3A_304] : memref<4096x8xf32, #tpu.memory_space<vmem>>, vector<256x8xf32>
      %dot_general3A_306 = arith.constant dense<0.000000e+00> : vector<256x8xf32>
      %dot_general3A_307 = tpu.matmul %convert_element_type3A_149, %get3A_305, %dot_general3A_306 {dimension_numbers = #tpu.dot_dimension_numbers<[1], [0], [0], [1], [0, 0, 1, 1], [], []>, transpose_lhs_hint = false} : vector<256x256xf32>, vector<256x8xf32>, vector<256x8xf32> -> vector<256x8xf32>
      %slice3A_308 = vector.extract_strided_slice %dot_general3A_144 {offsets = [14, 0], sizes = [1, 8], strides = [1, 1]} : vector<16x8xf32> to vector<1x8xf32>
      %add3A_309 = vector.broadcast %slice3A_308 : vector<1x8xf32> to vector<256x8xf32>
      %add3A_310 = arith.addf %dot_general3A_307, %add3A_309 : vector<256x8xf32>
      %swap3A_311 = arith.constant 3584 : index
      %swap3A_312 = arith.constant 0 : index
      %swap3A_313 = vector.load %arg11[%swap3A_311, %swap3A_312] : memref<4096x8xf32, #tpu.memory_space<vmem>>, vector<256x8xf32>
      tpu.vector_store %arg11[%swap3A_311, %swap3A_312], %add3A_310 {strides = array<i32>} : memref<4096x8xf32, #tpu.memory_space<vmem>>, vector<256x8xf32>,
      %get3A_314 = arith.constant 3840 : index
      %get3A_315 = arith.constant 0 : index
      %get3A_316 = vector.load %arg10[%get3A_314, %get3A_315] : memref<4096x8xf32, #tpu.memory_space<vmem>>, vector<256x8xf32>
      %dot_general3A_317 = arith.constant dense<0.000000e+00> : vector<256x8xf32>
      %dot_general3A_318 = tpu.matmul %convert_element_type3A_149, %get3A_316, %dot_general3A_317 {dimension_numbers = #tpu.dot_dimension_numbers<[1], [0], [0], [1], [0, 0, 1, 1], [], []>, transpose_lhs_hint = false} : vector<256x256xf32>, vector<256x8xf32>, vector<256x8xf32> -> vector<256x8xf32>
      %slice3A_319 = vector.extract_strided_slice %dot_general3A_144 {offsets = [15, 0], sizes = [1, 8], strides = [1, 1]} : vector<16x8xf32> to vector<1x8xf32>
      %add3A_320 = vector.broadcast %slice3A_319 : vector<1x8xf32> to vector<256x8xf32>
      %add3A_321 = arith.addf %dot_general3A_318, %add3A_320 : vector<256x8xf32>
      %swap3A_322 = arith.constant 3840 : index
      %swap3A_323 = arith.constant 0 : index
      %swap3A_324 = vector.load %arg11[%swap3A_322, %swap3A_323] : memref<4096x8xf32, #tpu.memory_space<vmem>>, vector<256x8xf32>
      tpu.vector_store %arg11[%swap3A_322, %swap3A_323], %add3A_321 {strides = array<i32>} : memref<4096x8xf32, #tpu.memory_space<vmem>>, vector<256x8xf32>,
      %reduce_sum3A = arith.constant dense<0.000000e+00> : vector<8xf32>
      %reduce_sum3A_325 = vector.multi_reduction <add>, %dot_general3A_138, %reduce_sum3A [0] : vector<16x8xf32> to vector<8xf32>
      %broadcast_in_dim3A_326 = vector.shape_cast %reduce_sum3A_325 : vector<8xf32> to vector<1x8xf32>
      %add3A_327 = arith.constant 1.270000e+02 : f32
      %add3A_328 = vector.broadcast %add3A_327 : f32 to vector<1x8xf32>
      %add3A_329 = arith.addf %broadcast_in_dim3A_326, %add3A_328 : vector<1x8xf32>
      %div3A_330 = arith.constant 1.280000e+02 : f32
      %div3A_331 = vector.broadcast %div3A_330 : f32 to vector<1x8xf32>
      %div3A_332 = arith.divf %add3A_329, %div3A_331 : vector<1x8xf32>
      %floor3A = math.floor %div3A_332 : vector<1x8xf32>
      %mul3A_333 = arith.constant 1.280000e+02 : f32
      %mul3A_334 = vector.broadcast %mul3A_333 : f32 to vector<1x8xf32>
      %mul3A_335 = arith.mulf %mul3A_334, %floor3A : vector<1x8xf32>
      %iota3A_336 = tpu.iota {dimensions = array<i32: 0>} : vector<8x8xi32>
      %iota3A_337 = tpu.iota {dimensions = array<i32: 1>} : vector<8x8xi32>
      %lt3A = arith.cmpi slt, %iota3A_336, %iota3A_337 : vector<8x8xi32>
      %convert_element_type3A_338 = arith.extui %lt3A : vector<8x8xi1> to vector<8x8xi32>
      %convert_element_type3A_339 = arith.sitofp %convert_element_type3A_338 : vector<8x8xi32> to vector<8x8xf32>
      %dot_general3A_340 = arith.constant dense<0.000000e+00> : vector<1x8xf32>
      %dot_general3A_341 = tpu.matmul %mul3A_335, %convert_element_type3A_339, %dot_general3A_340 {dimension_numbers = #tpu.dot_dimension_numbers<[1], [0], [0], [1], [0, 0, 1, 1], [], []>, transpose_lhs_hint = false} : vector<1x8xf32>, vector<8x8xf32>, vector<1x8xf32> -> vector<1x8xf32>
      %eq3A_342 = vector.broadcast %broadcast_in_dim3A_53 : vector<2048x1xi32> to vector<2048x8xi32>
      %eq3A_343 = arith.cmpi eq, %iota3A, %eq3A_342 : vector<2048x8xi32>
      %get3A_344 = arith.constant 0 : index
      %get3A_345 = arith.constant 0 : index
      %get3A_346 = vector.load %arg11[%get3A_344, %get3A_345] : memref<4096x8xf32, #tpu.memory_space<vmem>>, vector<2048x8xf32>
      %add3A_347 = vector.broadcast %dot_general3A_341 : vector<1x8xf32> to vector<2048x8xf32>
      %add3A_348 = arith.addf %add3A_347, %get3A_346 : vector<2048x8xf32>
      %jit3A_349 = arith.constant 0.000000e+00 : f32
      %broadcast_in_dim3A_350 = vector.broadcast %jit3A_349 : f32 to vector<2048x8xf32>
      %select_n3A_351 = arith.select %eq3A_343, %add3A_348, %broadcast_in_dim3A_350 : vector<2048x8xi1>, vector<2048x8xf32>
      %reduce_sum3A_352 = arith.constant dense<0.000000e+00> : vector<2048xf32>
      %reduce_sum3A_353 = vector.multi_reduction <add>, %select_n3A_351, %reduce_sum3A_352 [1] : vector<2048x8xf32> to vector<2048xf32>
      %broadcast_in_dim3A_354 = vector.shape_cast %reduce_sum3A_353 : vector<2048xf32> to vector<2048x1xf32>
      %eq3A_355 = vector.broadcast %broadcast_in_dim3A_69 : vector<2048x1xi32> to vector<2048x8xi32>
      %eq3A_356 = arith.cmpi eq, %iota3A, %eq3A_355 : vector<2048x8xi32>
      %get3A_357 = arith.constant 2048 : index
      %get3A_358 = arith.constant 0 : index
      %get3A_359 = vector.load %arg11[%get3A_357, %get3A_358] : memref<4096x8xf32, #tpu.memory_space<vmem>>, vector<2048x8xf32>
      %add3A_360 = vector.broadcast %dot_general3A_341 : vector<1x8xf32> to vector<2048x8xf32>
      %add3A_361 = arith.addf %add3A_360, %get3A_359 : vector<2048x8xf32>
      %jit3A_362 = arith.constant 0.000000e+00 : f32
      %broadcast_in_dim3A_363 = vector.broadcast %jit3A_362 : f32 to vector<2048x8xf32>
      %select_n3A_364 = arith.select %eq3A_356, %add3A_361, %broadcast_in_dim3A_363 : vector<2048x8xi1>, vector<2048x8xf32>
      %reduce_sum3A_365 = arith.constant dense<0.000000e+00> : vector<2048xf32>
      %reduce_sum3A_366 = vector.multi_reduction <add>, %select_n3A_364, %reduce_sum3A_365 [1] : vector<2048x8xf32> to vector<2048xf32>
      %broadcast_in_dim3A_367 = vector.shape_cast %reduce_sum3A_366 : vector<2048xf32> to vector<2048x1xf32>
      %eq3A_368 = arith.constant 0 : i32
      %eq3A_369 = vector.broadcast %eq3A_368 : i32 to vector<2048x2xi32>
      %eq3A_370 = arith.cmpi eq, %iota3A_71, %eq3A_369 : vector<2048x2xi32>
      %broadcast_in_dim3A_371 = vector.shape_cast %broadcast_in_dim3A_354 : vector<2048x1xf32> to vector<2048x1xf32>
      %broadcast_in_dim3A_372 = vector.broadcast %broadcast_in_dim3A_371 : vector<2048x1xf32> to vector<2048x2xf32>
      %broadcast_in_dim3A_373 = vector.shape_cast %broadcast_in_dim3A_367 : vector<2048x1xf32> to vector<2048x1xf32>
      %broadcast_in_dim3A_374 = vector.broadcast %broadcast_in_dim3A_373 : vector<2048x1xf32> to vector<2048x2xf32>
      %select_n3A_375 = arith.select %eq3A_370, %broadcast_in_dim3A_372, %broadcast_in_dim3A_374 : vector<2048x2xi1>, vector<2048x2xf32>
      %convert_element_type3A_376 = arith.fptosi %select_n3A_375 : vector<2048x2xf32> to vector<2048x2xi32>
      %swap3A_377 = arith.constant 0 : index
      %swap3A_378 = arith.constant 0 : index
      %swap3A_379 = vector.load %arg7[%swap3A_377, %swap3A_378] : memref<2048x2xi32, #tpu.memory_space<vmem>>, vector<2048x2xi32>
      tpu.vector_store %arg7[%swap3A_377, %swap3A_378], %convert_element_type3A_376 {strides = array<i32>} : memref<2048x2xi32, #tpu.memory_space<vmem>>, vector<2048x2xi32>,
      %iota3A_380 = tpu.iota {dimensions = array<i32: 1>} : vector<1x32xi32>
      %broadcast_in_dim3A_381 = arith.constant 0.000000e+00 : f32
      %broadcast_in_dim3A_382 = vector.broadcast %broadcast_in_dim3A_381 : f32 to vector<1x32xf32>
      %eq3A_383 = arith.constant 0 : i32
      %eq3A_384 = vector.broadcast %eq3A_383 : i32 to vector<1x32xi32>
      %eq3A_385 = arith.cmpi eq, %iota3A_380, %eq3A_384 : vector<1x32xi32>
      %slice3A_386 = vector.extract_strided_slice %dot_general3A_341 {offsets = [0, 0], sizes = [1, 1], strides = [1, 1]} : vector<1x8xf32> to vector<1x1xf32>
      %squeeze3A = vector.extract %slice3A_386[0, 0] : f32 from vector<1x1xf32>
      %div3A_387 = arith.constant 1.280000e+02 : f32
      %div3A_388 = arith.divf %squeeze3A, %div3A_387 : f32
      %jit3A_389 = arith.constant 0.000000e+00 : f32
      %broadcast_in_dim3A_390 = vector.broadcast %div3A_388 : f32 to vector<1x32xf32>
      %broadcast_in_dim3A_391 = vector.broadcast %jit3A_389 : f32 to vector<1x32xf32>
      %select_n3A_392 = arith.select %eq3A_385, %broadcast_in_dim3A_390, %broadcast_in_dim3A_391 : vector<1x32xi1>, vector<1x32xf32>
      %add3A_393 = arith.addf %broadcast_in_dim3A_382, %select_n3A_392 : vector<1x32xf32>
      %eq3A_394 = arith.constant 8 : i32
      %eq3A_395 = vector.broadcast %eq3A_394 : i32 to vector<1x32xi32>
      %eq3A_396 = arith.cmpi eq, %iota3A_380, %eq3A_395 : vector<1x32xi32>
      %slice3A_397 = vector.extract_strided_slice %mul3A_335 {offsets = [0, 0], sizes = [1, 1], strides = [1, 1]} : vector<1x8xf32> to vector<1x1xf32>
      %squeeze3A_398 = vector.extract %slice3A_397[0, 0] : f32 from vector<1x1xf32>
      %div3A_399 = arith.constant 1.280000e+02 : f32
      %div3A_400 = arith.divf %squeeze3A_398, %div3A_399 : f32
      %add3A_401 = arith.constant 1.000000e+00 : f32
      %add3A_402 = arith.addf %div3A_400, %add3A_401 : f32
      %div3A_403 = arith.constant 2.000000e+00 : f32
      %div3A_404 = arith.divf %add3A_402, %div3A_403 : f32
      %floor3A_405 = math.floor %div3A_404 : f32
      %jit3A_406 = arith.constant 0.000000e+00 : f32
      %broadcast_in_dim3A_407 = vector.broadcast %floor3A_405 : f32 to vector<1x32xf32>
      %broadcast_in_dim3A_408 = vector.broadcast %jit3A_406 : f32 to vector<1x32xf32>
      %select_n3A_409 = arith.select %eq3A_396, %broadcast_in_dim3A_407, %broadcast_in_dim3A_408 : vector<1x32xi1>, vector<1x32xf32>
      %add3A_410 = arith.addf %add3A_393, %select_n3A_409 : vector<1x32xf32>
      %eq3A_411 = arith.constant 1 : i32
      %eq3A_412 = vector.broadcast %eq3A_411 : i32 to vector<1x32xi32>
      %eq3A_413 = arith.cmpi eq, %iota3A_380, %eq3A_412 : vector<1x32xi32>
      %slice3A_414 = vector.extract_strided_slice %dot_general3A_341 {offsets = [0, 1], sizes = [1, 1], strides = [1, 1]} : vector<1x8xf32> to vector<1x1xf32>
      %squeeze3A_415 = vector.extract %slice3A_414[0, 0] : f32 from vector<1x1xf32>
      %div3A_416 = arith.constant 1.280000e+02 : f32
      %div3A_417 = arith.divf %squeeze3A_415, %div3A_416 : f32
      %jit3A_418 = arith.constant 0.000000e+00 : f32
      %broadcast_in_dim3A_419 = vector.broadcast %div3A_417 : f32 to vector<1x32xf32>
      %broadcast_in_dim3A_420 = vector.broadcast %jit3A_418 : f32 to vector<1x32xf32>
      %select_n3A_421 = arith.select %eq3A_413, %broadcast_in_dim3A_419, %broadcast_in_dim3A_420 : vector<1x32xi1>, vector<1x32xf32>
      %add3A_422 = arith.addf %add3A_410, %select_n3A_421 : vector<1x32xf32>
      %eq3A_423 = arith.constant 9 : i32
      %eq3A_424 = vector.broadcast %eq3A_423 : i32 to vector<1x32xi32>
      %eq3A_425 = arith.cmpi eq, %iota3A_380, %eq3A_424 : vector<1x32xi32>
      %slice3A_426 = vector.extract_strided_slice %mul3A_335 {offsets = [0, 1], sizes = [1, 1], strides = [1, 1]} : vector<1x8xf32> to vector<1x1xf32>
      %squeeze3A_427 = vector.extract %slice3A_426[0, 0] : f32 from vector<1x1xf32>
      %div3A_428 = arith.constant 1.280000e+02 : f32
      %div3A_429 = arith.divf %squeeze3A_427, %div3A_428 : f32
      %add3A_430 = arith.constant 1.000000e+00 : f32
      %add3A_431 = arith.addf %div3A_429, %add3A_430 : f32
      %div3A_432 = arith.constant 2.000000e+00 : f32
      %div3A_433 = arith.divf %add3A_431, %div3A_432 : f32
      %floor3A_434 = math.floor %div3A_433 : f32
      %jit3A_435 = arith.constant 0.000000e+00 : f32
      %broadcast_in_dim3A_436 = vector.broadcast %floor3A_434 : f32 to vector<1x32xf32>
      %broadcast_in_dim3A_437 = vector.broadcast %jit3A_435 : f32 to vector<1x32xf32>
      %select_n3A_438 = arith.select %eq3A_425, %broadcast_in_dim3A_436, %broadcast_in_dim3A_437 : vector<1x32xi1>, vector<1x32xf32>
      %add3A_439 = arith.addf %add3A_422, %select_n3A_438 : vector<1x32xf32>
      %eq3A_440 = arith.constant 2 : i32
      %eq3A_441 = vector.broadcast %eq3A_440 : i32 to vector<1x32xi32>
      %eq3A_442 = arith.cmpi eq, %iota3A_380, %eq3A_441 : vector<1x32xi32>
      %slice3A_443 = vector.extract_strided_slice %dot_general3A_341 {offsets = [0, 2], sizes = [1, 1], strides = [1, 1]} : vector<1x8xf32> to vector<1x1xf32>
      %squeeze3A_444 = vector.extract %slice3A_443[0, 0] : f32 from vector<1x1xf32>
      %div3A_445 = arith.constant 1.280000e+02 : f32
      %div3A_446 = arith.divf %squeeze3A_444, %div3A_445 : f32
      %jit3A_447 = arith.constant 0.000000e+00 : f32
      %broadcast_in_dim3A_448 = vector.broadcast %div3A_446 : f32 to vector<1x32xf32>
      %broadcast_in_dim3A_449 = vector.broadcast %jit3A_447 : f32 to vector<1x32xf32>
      %select_n3A_450 = arith.select %eq3A_442, %broadcast_in_dim3A_448, %broadcast_in_dim3A_449 : vector<1x32xi1>, vector<1x32xf32>
      %add3A_451 = arith.addf %add3A_439, %select_n3A_450 : vector<1x32xf32>
      %eq3A_452 = arith.constant 10 : i32
      %eq3A_453 = vector.broadcast %eq3A_452 : i32 to vector<1x32xi32>
      %eq3A_454 = arith.cmpi eq, %iota3A_380, %eq3A_453 : vector<1x32xi32>
      %slice3A_455 = vector.extract_strided_slice %mul3A_335 {offsets = [0, 2], sizes = [1, 1], strides = [1, 1]} : vector<1x8xf32> to vector<1x1xf32>
      %squeeze3A_456 = vector.extract %slice3A_455[0, 0] : f32 from vector<1x1xf32>
      %div3A_457 = arith.constant 1.280000e+02 : f32
      %div3A_458 = arith.divf %squeeze3A_456, %div3A_457 : f32
      %add3A_459 = arith.constant 1.000000e+00 : f32
      %add3A_460 = arith.addf %div3A_458, %add3A_459 : f32
      %div3A_461 = arith.constant 2.000000e+00 : f32
      %div3A_462 = arith.divf %add3A_460, %div3A_461 : f32
      %floor3A_463 = math.floor %div3A_462 : f32
      %jit3A_464 = arith.constant 0.000000e+00 : f32
      %broadcast_in_dim3A_465 = vector.broadcast %floor3A_463 : f32 to vector<1x32xf32>
      %broadcast_in_dim3A_466 = vector.broadcast %jit3A_464 : f32 to vector<1x32xf32>
      %select_n3A_467 = arith.select %eq3A_454, %broadcast_in_dim3A_465, %broadcast_in_dim3A_466 : vector<1x32xi1>, vector<1x32xf32>
      %add3A_468 = arith.addf %add3A_451, %select_n3A_467 : vector<1x32xf32>
      %eq3A_469 = arith.constant 3 : i32
      %eq3A_470 = vector.broadcast %eq3A_469 : i32 to vector<1x32xi32>
      %eq3A_471 = arith.cmpi eq, %iota3A_380, %eq3A_470 : vector<1x32xi32>
      %slice3A_472 = vector.extract_strided_slice %dot_general3A_341 {offsets = [0, 3], sizes = [1, 1], strides = [1, 1]} : vector<1x8xf32> to vector<1x1xf32>
      %squeeze3A_473 = vector.extract %slice3A_472[0, 0] : f32 from vector<1x1xf32>
      %div3A_474 = arith.constant 1.280000e+02 : f32
      %div3A_475 = arith.divf %squeeze3A_473, %div3A_474 : f32
      %jit3A_476 = arith.constant 0.000000e+00 : f32
      %broadcast_in_dim3A_477 = vector.broadcast %div3A_475 : f32 to vector<1x32xf32>
      %broadcast_in_dim3A_478 = vector.broadcast %jit3A_476 : f32 to vector<1x32xf32>
      %select_n3A_479 = arith.select %eq3A_471, %broadcast_in_dim3A_477, %broadcast_in_dim3A_478 : vector<1x32xi1>, vector<1x32xf32>
      %add3A_480 = arith.addf %add3A_468, %select_n3A_479 : vector<1x32xf32>
      %eq3A_481 = arith.constant 11 : i32
      %eq3A_482 = vector.broadcast %eq3A_481 : i32 to vector<1x32xi32>
      %eq3A_483 = arith.cmpi eq, %iota3A_380, %eq3A_482 : vector<1x32xi32>
      %slice3A_484 = vector.extract_strided_slice %mul3A_335 {offsets = [0, 3], sizes = [1, 1], strides = [1, 1]} : vector<1x8xf32> to vector<1x1xf32>
      %squeeze3A_485 = vector.extract %slice3A_484[0, 0] : f32 from vector<1x1xf32>
      %div3A_486 = arith.constant 1.280000e+02 : f32
      %div3A_487 = arith.divf %squeeze3A_485, %div3A_486 : f32
      %add3A_488 = arith.constant 1.000000e+00 : f32
      %add3A_489 = arith.addf %div3A_487, %add3A_488 : f32
      %div3A_490 = arith.constant 2.000000e+00 : f32
      %div3A_491 = arith.divf %add3A_489, %div3A_490 : f32
      %floor3A_492 = math.floor %div3A_491 : f32
      %jit3A_493 = arith.constant 0.000000e+00 : f32
      %broadcast_in_dim3A_494 = vector.broadcast %floor3A_492 : f32 to vector<1x32xf32>
      %broadcast_in_dim3A_495 = vector.broadcast %jit3A_493 : f32 to vector<1x32xf32>
      %select_n3A_496 = arith.select %eq3A_483, %broadcast_in_dim3A_494, %broadcast_in_dim3A_495 : vector<1x32xi1>, vector<1x32xf32>
      %add3A_497 = arith.addf %add3A_480, %select_n3A_496 : vector<1x32xf32>
      %eq3A_498 = arith.constant 4 : i32
      %eq3A_499 = vector.broadcast %eq3A_498 : i32 to vector<1x32xi32>
      %eq3A_500 = arith.cmpi eq, %iota3A_380, %eq3A_499 : vector<1x32xi32>
      %slice3A_501 = vector.extract_strided_slice %dot_general3A_341 {offsets = [0, 4], sizes = [1, 1], strides = [1, 1]} : vector<1x8xf32> to vector<1x1xf32>
      %squeeze3A_502 = vector.extract %slice3A_501[0, 0] : f32 from vector<1x1xf32>
      %div3A_503 = arith.constant 1.280000e+02 : f32
      %div3A_504 = arith.divf %squeeze3A_502, %div3A_503 : f32
      %jit3A_505 = arith.constant 0.000000e+00 : f32
      %broadcast_in_dim3A_506 = vector.broadcast %div3A_504 : f32 to vector<1x32xf32>
      %broadcast_in_dim3A_507 = vector.broadcast %jit3A_505 : f32 to vector<1x32xf32>
      %select_n3A_508 = arith.select %eq3A_500, %broadcast_in_dim3A_506, %broadcast_in_dim3A_507 : vector<1x32xi1>, vector<1x32xf32>
      %add3A_509 = arith.addf %add3A_497, %select_n3A_508 : vector<1x32xf32>
      %eq3A_510 = arith.constant 12 : i32
      %eq3A_511 = vector.broadcast %eq3A_510 : i32 to vector<1x32xi32>
      %eq3A_512 = arith.cmpi eq, %iota3A_380, %eq3A_511 : vector<1x32xi32>
      %slice3A_513 = vector.extract_strided_slice %mul3A_335 {offsets = [0, 4], sizes = [1, 1], strides = [1, 1]} : vector<1x8xf32> to vector<1x1xf32>
      %squeeze3A_514 = vector.extract %slice3A_513[0, 0] : f32 from vector<1x1xf32>
      %div3A_515 = arith.constant 1.280000e+02 : f32
      %div3A_516 = arith.divf %squeeze3A_514, %div3A_515 : f32
      %add3A_517 = arith.constant 1.000000e+00 : f32
      %add3A_518 = arith.addf %div3A_516, %add3A_517 : f32
      %div3A_519 = arith.constant 2.000000e+00 : f32
      %div3A_520 = arith.divf %add3A_518, %div3A_519 : f32
      %floor3A_521 = math.floor %div3A_520 : f32
      %jit3A_522 = arith.constant 0.000000e+00 : f32
      %broadcast_in_dim3A_523 = vector.broadcast %floor3A_521 : f32 to vector<1x32xf32>
      %broadcast_in_dim3A_524 = vector.broadcast %jit3A_522 : f32 to vector<1x32xf32>
      %select_n3A_525 = arith.select %eq3A_512, %broadcast_in_dim3A_523, %broadcast_in_dim3A_524 : vector<1x32xi1>, vector<1x32xf32>
      %add3A_526 = arith.addf %add3A_509, %select_n3A_525 : vector<1x32xf32>
      %eq3A_527 = arith.constant 5 : i32
      %eq3A_528 = vector.broadcast %eq3A_527 : i32 to vector<1x32xi32>
      %eq3A_529 = arith.cmpi eq, %iota3A_380, %eq3A_528 : vector<1x32xi32>
      %slice3A_530 = vector.extract_strided_slice %dot_general3A_341 {offsets = [0, 5], sizes = [1, 1], strides = [1, 1]} : vector<1x8xf32> to vector<1x1xf32>
      %squeeze3A_531 = vector.extract %slice3A_530[0, 0] : f32 from vector<1x1xf32>
      %div3A_532 = arith.constant 1.280000e+02 : f32
      %div3A_533 = arith.divf %squeeze3A_531, %div3A_532 : f32
      %jit3A_534 = arith.constant 0.000000e+00 : f32
      %broadcast_in_dim3A_535 = vector.broadcast %div3A_533 : f32 to vector<1x32xf32>
      %broadcast_in_dim3A_536 = vector.broadcast %jit3A_534 : f32 to vector<1x32xf32>
      %select_n3A_537 = arith.select %eq3A_529, %broadcast_in_dim3A_535, %broadcast_in_dim3A_536 : vector<1x32xi1>, vector<1x32xf32>
      %add3A_538 = arith.addf %add3A_526, %select_n3A_537 : vector<1x32xf32>
      %eq3A_539 = arith.constant 13 : i32
      %eq3A_540 = vector.broadcast %eq3A_539 : i32 to vector<1x32xi32>
      %eq3A_541 = arith.cmpi eq, %iota3A_380, %eq3A_540 : vector<1x32xi32>
      %slice3A_542 = vector.extract_strided_slice %mul3A_335 {offsets = [0, 5], sizes = [1, 1], strides = [1, 1]} : vector<1x8xf32> to vector<1x1xf32>
      %squeeze3A_543 = vector.extract %slice3A_542[0, 0] : f32 from vector<1x1xf32>
      %div3A_544 = arith.constant 1.280000e+02 : f32
      %div3A_545 = arith.divf %squeeze3A_543, %div3A_544 : f32
      %add3A_546 = arith.constant 1.000000e+00 : f32
      %add3A_547 = arith.addf %div3A_545, %add3A_546 : f32
      %div3A_548 = arith.constant 2.000000e+00 : f32
      %div3A_549 = arith.divf %add3A_547, %div3A_548 : f32
      %floor3A_550 = math.floor %div3A_549 : f32
      %jit3A_551 = arith.constant 0.000000e+00 : f32
      %broadcast_in_dim3A_552 = vector.broadcast %floor3A_550 : f32 to vector<1x32xf32>
      %broadcast_in_dim3A_553 = vector.broadcast %jit3A_551 : f32 to vector<1x32xf32>
      %select_n3A_554 = arith.select %eq3A_541, %broadcast_in_dim3A_552, %broadcast_in_dim3A_553 : vector<1x32xi1>, vector<1x32xf32>
      %add3A_555 = arith.addf %add3A_538, %select_n3A_554 : vector<1x32xf32>
      %eq3A_556 = arith.constant 6 : i32
      %eq3A_557 = vector.broadcast %eq3A_556 : i32 to vector<1x32xi32>
      %eq3A_558 = arith.cmpi eq, %iota3A_380, %eq3A_557 : vector<1x32xi32>
      %slice3A_559 = vector.extract_strided_slice %dot_general3A_341 {offsets = [0, 6], sizes = [1, 1], strides = [1, 1]} : vector<1x8xf32> to vector<1x1xf32>
      %squeeze3A_560 = vector.extract %slice3A_559[0, 0] : f32 from vector<1x1xf32>
      %div3A_561 = arith.constant 1.280000e+02 : f32
      %div3A_562 = arith.divf %squeeze3A_560, %div3A_561 : f32
      %jit3A_563 = arith.constant 0.000000e+00 : f32
      %broadcast_in_dim3A_564 = vector.broadcast %div3A_562 : f32 to vector<1x32xf32>
      %broadcast_in_dim3A_565 = vector.broadcast %jit3A_563 : f32 to vector<1x32xf32>
      %select_n3A_566 = arith.select %eq3A_558, %broadcast_in_dim3A_564, %broadcast_in_dim3A_565 : vector<1x32xi1>, vector<1x32xf32>
      %add3A_567 = arith.addf %add3A_555, %select_n3A_566 : vector<1x32xf32>
      %eq3A_568 = arith.constant 14 : i32
      %eq3A_569 = vector.broadcast %eq3A_568 : i32 to vector<1x32xi32>
      %eq3A_570 = arith.cmpi eq, %iota3A_380, %eq3A_569 : vector<1x32xi32>
      %slice3A_571 = vector.extract_strided_slice %mul3A_335 {offsets = [0, 6], sizes = [1, 1], strides = [1, 1]} : vector<1x8xf32> to vector<1x1xf32>
      %squeeze3A_572 = vector.extract %slice3A_571[0, 0] : f32 from vector<1x1xf32>
      %div3A_573 = arith.constant 1.280000e+02 : f32
      %div3A_574 = arith.divf %squeeze3A_572, %div3A_573 : f32
      %add3A_575 = arith.constant 1.000000e+00 : f32
      %add3A_576 = arith.addf %div3A_574, %add3A_575 : f32
      %div3A_577 = arith.constant 2.000000e+00 : f32
      %div3A_578 = arith.divf %add3A_576, %div3A_577 : f32
      %floor3A_579 = math.floor %div3A_578 : f32
      %jit3A_580 = arith.constant 0.000000e+00 : f32
      %broadcast_in_dim3A_581 = vector.broadcast %floor3A_579 : f32 to vector<1x32xf32>
      %broadcast_in_dim3A_582 = vector.broadcast %jit3A_580 : f32 to vector<1x32xf32>
      %select_n3A_583 = arith.select %eq3A_570, %broadcast_in_dim3A_581, %broadcast_in_dim3A_582 : vector<1x32xi1>, vector<1x32xf32>
      %add3A_584 = arith.addf %add3A_567, %select_n3A_583 : vector<1x32xf32>
      %eq3A_585 = arith.constant 7 : i32
      %eq3A_586 = vector.broadcast %eq3A_585 : i32 to vector<1x32xi32>
      %eq3A_587 = arith.cmpi eq, %iota3A_380, %eq3A_586 : vector<1x32xi32>
      %slice3A_588 = vector.extract_strided_slice %dot_general3A_341 {offsets = [0, 7], sizes = [1, 1], strides = [1, 1]} : vector<1x8xf32> to vector<1x1xf32>
      %squeeze3A_589 = vector.extract %slice3A_588[0, 0] : f32 from vector<1x1xf32>
      %div3A_590 = arith.constant 1.280000e+02 : f32
      %div3A_591 = arith.divf %squeeze3A_589, %div3A_590 : f32
      %jit3A_592 = arith.constant 0.000000e+00 : f32
      %broadcast_in_dim3A_593 = vector.broadcast %div3A_591 : f32 to vector<1x32xf32>
      %broadcast_in_dim3A_594 = vector.broadcast %jit3A_592 : f32 to vector<1x32xf32>
      %select_n3A_595 = arith.select %eq3A_587, %broadcast_in_dim3A_593, %broadcast_in_dim3A_594 : vector<1x32xi1>, vector<1x32xf32>
      %add3A_596 = arith.addf %add3A_584, %select_n3A_595 : vector<1x32xf32>
      %eq3A_597 = arith.constant 15 : i32
      %eq3A_598 = vector.broadcast %eq3A_597 : i32 to vector<1x32xi32>
      %eq3A_599 = arith.cmpi eq, %iota3A_380, %eq3A_598 : vector<1x32xi32>
      %slice3A_600 = vector.extract_strided_slice %mul3A_335 {offsets = [0, 7], sizes = [1, 1], strides = [1, 1]} : vector<1x8xf32> to vector<1x1xf32>
      %squeeze3A_601 = vector.extract %slice3A_600[0, 0] : f32 from vector<1x1xf32>
      %div3A_602 = arith.constant 1.280000e+02 : f32
      %div3A_603 = arith.divf %squeeze3A_601, %div3A_602 : f32
      %add3A_604 = arith.constant 1.000000e+00 : f32
      %add3A_605 = arith.addf %div3A_603, %add3A_604 : f32
      %div3A_606 = arith.constant 2.000000e+00 : f32
      %div3A_607 = arith.divf %add3A_605, %div3A_606 : f32
      %floor3A_608 = math.floor %div3A_607 : f32
      %jit3A_609 = arith.constant 0.000000e+00 : f32
      %broadcast_in_dim3A_610 = vector.broadcast %floor3A_608 : f32 to vector<1x32xf32>
      %broadcast_in_dim3A_611 = vector.broadcast %jit3A_609 : f32 to vector<1x32xf32>
      %select_n3A_612 = arith.select %eq3A_599, %broadcast_in_dim3A_610, %broadcast_in_dim3A_611 : vector<1x32xi1>, vector<1x32xf32>
      %add3A_613 = arith.addf %add3A_596, %select_n3A_612 : vector<1x32xf32>
      %convert_element_type3A_614 = arith.fptosi %add3A_613 : vector<1x32xf32> to vector<1x32xi32>
      %swap3A_615 = arith.constant 0 : index
      %swap3A_616 = arith.constant 0 : index
      %swap3A_617 = vector.load %arg9[%swap3A_615, %swap3A_616] : memref<1x32xi32, #tpu.memory_space<vmem>>, vector<1x32xi32>
      tpu.vector_store %arg9[%swap3A_615, %swap3A_616], %convert_element_type3A_614 {strides = array<i32>} : memref<1x32xi32, #tpu.memory_space<vmem>>, vector<1x32xi32>,
    } else {
    }
    return
  }
  func.func @transform_0(%arg0: i32) -> (i32, i32) {
    %c0_i32 = arith.constant 0 : i32
    %c0_i32_0 = arith.constant 0 : i32
    %c0_i32_1 = arith.constant 0 : i32
    return %c0_i32, %c0_i32_0 : i32, i32
  }
  func.func @transform_1(%arg0: i32) -> (i32, i32) {
    %c0_i32 = arith.constant 0 : i32
    %c0_i32_0 = arith.constant 0 : i32
    %c0_i32_1 = arith.constant 0 : i32
    return %c0_i32, %c0_i32_0 : i32, i32
  }
  func.func @transform_2(%arg0: i32) -> (i32, i32) {
    %c0_i32 = arith.constant 0 : i32
    %c0_i32_0 = arith.constant 0 : i32
    %c0_i32_1 = arith.constant 0 : i32
    return %c0_i32, %c0_i32_0 : i32, i32
  }
  func.func @transform_3(%arg0: i32) -> (i32, i32) {
    %c0_i32 = arith.constant 0 : i32
    %c0_i32_0 = arith.constant 0 : i32
    %c0_i32_1 = arith.constant 0 : i32
    return %c0_i32, %c0_i32_0 : i32, i32
  }
  func.func @transform_4(%arg0: i32) -> (i32, i32) {
    %c0_i32 = arith.constant 0 : i32
    %c0_i32_0 = arith.constant 0 : i32
    %c0_i32_1 = arith.constant 0 : i32
    return %c0_i32, %c0_i32_0 : i32, i32
  }
  func.func @transform_5(%arg0: i32) -> (i32, i32) {
    %c0_i32 = arith.constant 0 : i32
    %c0_i32_0 = arith.constant 0 : i32
    return %arg0, %c0_i32 : i32, i32
  }
  func.func @transform_6(%arg0: i32) -> (i32, i32) {
    %c0_i32 = arith.constant 0 : i32
    %c0_i32_0 = arith.constant 0 : i32
    %c0_i32_1 = arith.constant 0 : i32
    return %c0_i32, %c0_i32_0 : i32, i32
  }
  func.func @transform_7(%arg0: i32) -> (i32, i32) {
    %c0_i32 = arith.constant 0 : i32
    %c0_i32_0 = arith.constant 0 : i32
    %c0_i32_1 = arith.constant 0 : i32
    return %c0_i32, %c0_i32_0 : i32, i32
  }
  func.func @transform_8(%arg0: i32) -> (i32, i32) {
    %c0_i32 = arith.constant 0 : i32
    %c0_i32_0 = arith.constant 0 : i32
    %c0_i32_1 = arith.constant 0 : i32
    return %c0_i32, %c0_i32_0 : i32, i32
  }
}

module attributes {stable_mosaic.version = 14 : i64} {
  func.func @_combine_kernel(%arg0: i32, %arg1: memref<256x1024xf32, #tpu.memory_space<vmem>>, %arg2: memref<256x1024xf32, #tpu.memory_space<vmem>>, %arg3: memref<256x1024xf32, #tpu.memory_space<vmem>>, %arg4: memref<256x2xf32, #tpu.memory_space<vmem>>, %arg5: memref<256x1024xf32, #tpu.memory_space<vmem>>) attributes {dimension_semantics = [#tpu.dimension_semantics<arbitrary>], iteration_bounds = array<i64: 8>, scalar_prefetch = 0 : i64, scratch_operands = 0 : i64, tpu.core_type = #tpu.core_type<tc>, window_params = [{transform_indices = @transform_0, window_bounds = array<i64: 256, 1024>}, {transform_indices = @transform_1, window_bounds = array<i64: 256, 1024>}, {transform_indices = @transform_2, window_bounds = array<i64: 256, 1024>}, {transform_indices = @transform_3, window_bounds = array<i64: 256, 2>}, {transform_indices = @transform_4, window_bounds = array<i64: 256, 1024>}]} {
    %get3A = arith.constant 0 : index
    %get3A_0 = arith.constant 0 : index
    %get3A_1 = vector.load %arg4[%get3A, %get3A_0] : memref<256x2xf32, #tpu.memory_space<vmem>>, vector<256x2xf32>
    %get3A_2 = arith.constant 0 : index
    %get3A_3 = arith.constant 0 : index
    %get3A_4 = vector.load %arg1[%get3A_2, %get3A_3] : memref<256x1024xf32, #tpu.memory_space<vmem>>, vector<256x1024xf32>
    %slice3A = vector.extract_strided_slice %get3A_1 {offsets = [0, 0], sizes = [256, 1], strides = [1, 1]} : vector<256x2xf32> to vector<256x1xf32>
    %get3A_5 = arith.constant 0 : index
    %get3A_6 = arith.constant 0 : index
    %get3A_7 = vector.load %arg2[%get3A_5, %get3A_6] : memref<256x1024xf32, #tpu.memory_space<vmem>>, vector<256x1024xf32>
    %mul3A = vector.broadcast %slice3A : vector<256x1xf32> to vector<256x1024xf32>
    %mul3A_8 = arith.mulf %mul3A, %get3A_7 : vector<256x1024xf32>
    %add3A = arith.addf %get3A_4, %mul3A_8 : vector<256x1024xf32>
    %slice3A_9 = vector.extract_strided_slice %get3A_1 {offsets = [0, 1], sizes = [256, 1], strides = [1, 1]} : vector<256x2xf32> to vector<256x1xf32>
    %get3A_10 = arith.constant 0 : index
    %get3A_11 = arith.constant 0 : index
    %get3A_12 = vector.load %arg3[%get3A_10, %get3A_11] : memref<256x1024xf32, #tpu.memory_space<vmem>>, vector<256x1024xf32>
    %mul3A_13 = vector.broadcast %slice3A_9 : vector<256x1xf32> to vector<256x1024xf32>
    %mul3A_14 = arith.mulf %mul3A_13, %get3A_12 : vector<256x1024xf32>
    %add3A_15 = arith.addf %add3A, %mul3A_14 : vector<256x1024xf32>
    %swap3A = arith.constant 0 : index
    %swap3A_16 = arith.constant 0 : index
    %swap3A_17 = vector.load %arg5[%swap3A, %swap3A_16] : memref<256x1024xf32, #tpu.memory_space<vmem>>, vector<256x1024xf32>
    tpu.vector_store %arg5[%swap3A, %swap3A_16], %add3A_15 {strides = array<i32>} : memref<256x1024xf32, #tpu.memory_space<vmem>>, vector<256x1024xf32>,
    return
  }
  func.func @transform_0(%arg0: i32) -> (i32, i32) {
    %c0_i32 = arith.constant 0 : i32
    %c0_i32_0 = arith.constant 0 : i32
    return %arg0, %c0_i32 : i32, i32
  }
  func.func @transform_1(%arg0: i32) -> (i32, i32) {
    %c0_i32 = arith.constant 0 : i32
    %c0_i32_0 = arith.constant 0 : i32
    return %arg0, %c0_i32 : i32, i32
  }
  func.func @transform_2(%arg0: i32) -> (i32, i32) {
    %c0_i32 = arith.constant 0 : i32
    %c0_i32_0 = arith.constant 0 : i32
    return %arg0, %c0_i32 : i32, i32
  }
  func.func @transform_3(%arg0: i32) -> (i32, i32) {
    %c0_i32 = arith.constant 0 : i32
    %c0_i32_0 = arith.constant 0 : i32
    return %arg0, %c0_i32 : i32, i32
  }
  func.func @transform_4(%arg0: i32) -> (i32, i32) {
    %c0_i32 = arith.constant 0 : i32
    %c0_i32_0 = arith.constant 0 : i32
    return %arg0, %c0_i32 : i32, i32
  }
}

module attributes {stable_mosaic.version = 14 : i64} {
  func.func @_ffn_kernel(%arg0: i32, %arg1: memref<32xi32, #tpu.memory_space<smem>>, %arg2: memref<5376x1024xf32, #tpu.memory_space<vmem>>, %arg3: memref<1x512x1024xf32, #tpu.memory_space<vmem>>, %arg4: memref<1x512x1024xf32, #tpu.memory_space<vmem>>, %arg5: memref<1x1024x512xf32, #tpu.memory_space<vmem>>, %arg6: memref<5376x1024xf32, #tpu.memory_space<vmem>>) attributes {dimension_semantics = [#tpu.dimension_semantics<arbitrary>], iteration_bounds = array<i64: 8>, scalar_prefetch = 1 : i64, scratch_operands = 0 : i64, tpu.core_type = #tpu.core_type<tc>, window_params = [{pipeline_mode = #tpu.pipeline_mode<synchronous>, transform_indices = @transform_0, window_bounds = array<i64: 5376, 1024>}, {transform_indices = @transform_1, window_bounds = array<i64: 1, 512, 1024>}, {transform_indices = @transform_2, window_bounds = array<i64: 1, 512, 1024>}, {transform_indices = @transform_3, window_bounds = array<i64: 1, 1024, 512>}, {pipeline_mode = #tpu.pipeline_mode<synchronous>, transform_indices = @transform_4, window_bounds = array<i64: 5376, 1024>}]} {
    %get3A = arith.index_cast %arg0 : i32 to index
    %get3A_0 = memref.load %arg1[%get3A] : memref<32xi32, #tpu.memory_space<smem>>
    %add3A = arith.constant 8 : i32
    %add3A_1 = arith.addi %add3A, %arg0 : i32
    %get3A_2 = arith.index_cast %add3A_1 : i32 to index
    %get3A_3 = memref.load %arg1[%get3A_2] : memref<32xi32, #tpu.memory_space<smem>>
    %get3A_4 = arith.constant 0 : index
    %get3A_5 = arith.constant 0 : index
    %get3A_6 = arith.constant 0 : index
    %get3A_7 = vector.load %arg3[%get3A_4, %get3A_5, %get3A_6] : memref<1x512x1024xf32, #tpu.memory_space<vmem>>, vector<1x512x1024xf32>
    %get3A_8 = vector.shape_cast %get3A_7 : vector<1x512x1024xf32> to vector<512x1024xf32>
    %convert_element_type3A = arith.truncf %get3A_8 : vector<512x1024xf32> to vector<512x1024xbf16>
    %get3A_9 = arith.constant 0 : index
    %get3A_10 = arith.constant 0 : index
    %get3A_11 = arith.constant 0 : index
    %get3A_12 = vector.load %arg4[%get3A_9, %get3A_10, %get3A_11] : memref<1x512x1024xf32, #tpu.memory_space<vmem>>, vector<1x512x1024xf32>
    %get3A_13 = vector.shape_cast %get3A_12 : vector<1x512x1024xf32> to vector<512x1024xf32>
    %convert_element_type3A_14 = arith.truncf %get3A_13 : vector<512x1024xf32> to vector<512x1024xbf16>
    %get3A_15 = arith.constant 0 : index
    %get3A_16 = arith.constant 0 : index
    %get3A_17 = arith.constant 0 : index
    %get3A_18 = vector.load %arg5[%get3A_15, %get3A_16, %get3A_17] : memref<1x1024x512xf32, #tpu.memory_space<vmem>>, vector<1x1024x512xf32>
    %get3A_19 = vector.shape_cast %get3A_18 : vector<1x1024x512xf32> to vector<1024x512xf32>
    %convert_element_type3A_20 = arith.truncf %get3A_19 : vector<1024x512xf32> to vector<1024x512xbf16>
    %while3A = arith.constant 0 : i32
    %while3A_21 = arith.constant 0 : i32
    %while3A_22 = arith.subi %get3A_3, %while3A_21 : i32
    %while3A_23 = arith.addi %while3A_21, %while3A_22 : i32
    %while3A_24 = arith.constant 1 : i32
    %while3A_25 = arith.divsi %while3A_22, %while3A_24 : i32
    %while3A_26 = arith.muli %while3A_25, %while3A_24 : i32
    %while3A_27 = arith.addi %while3A_21, %while3A_26 : i32
    %while3A_28 = arith.constant 1 : i32
    scf.for %while3A_30 = %while3A_21 to %while3A_27 step %while3A_28  : i32 {
      %mul3A = arith.constant 128 : i32
      %mul3A_31 = arith.muli %get3A_0, %mul3A : i32
      %multiple_of3A = tpu.assume_multiple %mul3A_31, 128 : i32
      %mul3A_32 = arith.constant 256 : i32
      %mul3A_33 = arith.muli %while3A_30, %mul3A_32 : i32
      %add3A_34 = arith.addi %multiple_of3A, %mul3A_33 : i32
      %get3A_35 = arith.index_cast %add3A_34 : i32 to index
      %get3A_36 = arith.constant 0 : index
      %get3A_37 = vector.load %arg2[%get3A_35, %get3A_36] : memref<5376x1024xf32, #tpu.memory_space<vmem>>, vector<256x1024xf32>
      %convert_element_type3A_38 = arith.truncf %get3A_37 : vector<256x1024xf32> to vector<256x1024xbf16>
      %dot_general3A = arith.constant dense<0.000000e+00> : vector<256x512xf32>
      %dot_general3A_39 = tpu.matmul %convert_element_type3A_38, %convert_element_type3A, %dot_general3A {dimension_numbers = #tpu.dot_dimension_numbers<[1], [1], [0], [0], [0, 0, 1, 0], [], []>, transpose_lhs_hint = false} : vector<256x1024xbf16>, vector<512x1024xbf16>, vector<256x512xf32> -> vector<256x512xf32>
      %dot_general3A_40 = arith.constant dense<0.000000e+00> : vector<256x512xf32>
      %dot_general3A_41 = tpu.matmul %convert_element_type3A_38, %convert_element_type3A_14, %dot_general3A_40 {dimension_numbers = #tpu.dot_dimension_numbers<[1], [1], [0], [0], [0, 0, 1, 0], [], []>, transpose_lhs_hint = false} : vector<256x1024xbf16>, vector<512x1024xbf16>, vector<256x512xf32> -> vector<256x512xf32>
      %min3A = arith.constant 7.000000e+00 : f32
      %min3A_42 = vector.broadcast %min3A : f32 to vector<256x512xf32>
      %min3A_43 = arith.minimumf %dot_general3A_39, %min3A_42 : vector<256x512xf32>
      %jit3A = arith.constant -7.000000e+00 : f32
      %jit3A_44 = arith.constant 7.000000e+00 : f32
      %max3A = vector.broadcast %jit3A : f32 to vector<256x512xf32>
      %max3A_45 = arith.maximumf %max3A, %dot_general3A_41 : vector<256x512xf32>
      %min3A_46 = vector.broadcast %jit3A_44 : f32 to vector<256x512xf32>
      %min3A_47 = arith.minimumf %min3A_46, %max3A_45 : vector<256x512xf32>
      %logistic3A = arith.negf %min3A_43 : vector<256x512xf32>
      %logistic3A_48 = math.exp %logistic3A : vector<256x512xf32>
      %logistic3A_49 = arith.constant 1.000000e+00 : f32
      %logistic3A_50 = vector.broadcast %logistic3A_49 : f32 to vector<256x512xf32>
      %logistic3A_51 = arith.addf %logistic3A_50, %logistic3A_48 : vector<256x512xf32>
      %logistic3A_52 = arith.divf %logistic3A_50, %logistic3A_51 : vector<256x512xf32>
      %mul3A_53 = arith.mulf %min3A_43, %logistic3A_52 : vector<256x512xf32>
      %mul3A_54 = arith.mulf %mul3A_53, %min3A_47 : vector<256x512xf32>
      %convert_element_type3A_55 = arith.truncf %mul3A_54 : vector<256x512xf32> to vector<256x512xbf16>
      %dot_general3A_56 = arith.constant dense<0.000000e+00> : vector<256x1024xf32>
      %dot_general3A_57 = tpu.matmul %convert_element_type3A_55, %convert_element_type3A_20, %dot_general3A_56 {dimension_numbers = #tpu.dot_dimension_numbers<[1], [1], [0], [0], [0, 0, 1, 0], [], []>, transpose_lhs_hint = false} : vector<256x512xbf16>, vector<1024x512xbf16>, vector<256x1024xf32> -> vector<256x1024xf32>
      %swap3A = arith.index_cast %add3A_34 : i32 to index
      %swap3A_58 = arith.constant 0 : index
      %swap3A_59 = vector.load %arg6[%swap3A, %swap3A_58] : memref<5376x1024xf32, #tpu.memory_space<vmem>>, vector<256x1024xf32>
      tpu.vector_store %arg6[%swap3A, %swap3A_58], %dot_general3A_57 {strides = array<i32>} : memref<5376x1024xf32, #tpu.memory_space<vmem>>, vector<256x1024xf32>,
    }
    %while3A_29 = arith.constant 1 : i32
    scf.for %while3A_30 = %while3A_27 to %while3A_23 step %while3A_29  : i32 {
      %mul3A = arith.constant 128 : i32
      %mul3A_31 = arith.muli %get3A_0, %mul3A : i32
      %multiple_of3A = tpu.assume_multiple %mul3A_31, 128 : i32
      %mul3A_32 = arith.constant 256 : i32
      %mul3A_33 = arith.muli %while3A_30, %mul3A_32 : i32
      %add3A_34 = arith.addi %multiple_of3A, %mul3A_33 : i32
      %get3A_35 = arith.index_cast %add3A_34 : i32 to index
      %get3A_36 = arith.constant 0 : index
      %get3A_37 = vector.load %arg2[%get3A_35, %get3A_36] : memref<5376x1024xf32, #tpu.memory_space<vmem>>, vector<256x1024xf32>
      %convert_element_type3A_38 = arith.truncf %get3A_37 : vector<256x1024xf32> to vector<256x1024xbf16>
      %dot_general3A = arith.constant dense<0.000000e+00> : vector<256x512xf32>
      %dot_general3A_39 = tpu.matmul %convert_element_type3A_38, %convert_element_type3A, %dot_general3A {dimension_numbers = #tpu.dot_dimension_numbers<[1], [1], [0], [0], [0, 0, 1, 0], [], []>, transpose_lhs_hint = false} : vector<256x1024xbf16>, vector<512x1024xbf16>, vector<256x512xf32> -> vector<256x512xf32>
      %dot_general3A_40 = arith.constant dense<0.000000e+00> : vector<256x512xf32>
      %dot_general3A_41 = tpu.matmul %convert_element_type3A_38, %convert_element_type3A_14, %dot_general3A_40 {dimension_numbers = #tpu.dot_dimension_numbers<[1], [1], [0], [0], [0, 0, 1, 0], [], []>, transpose_lhs_hint = false} : vector<256x1024xbf16>, vector<512x1024xbf16>, vector<256x512xf32> -> vector<256x512xf32>
      %min3A = arith.constant 7.000000e+00 : f32
      %min3A_42 = vector.broadcast %min3A : f32 to vector<256x512xf32>
      %min3A_43 = arith.minimumf %dot_general3A_39, %min3A_42 : vector<256x512xf32>
      %jit3A = arith.constant -7.000000e+00 : f32
      %jit3A_44 = arith.constant 7.000000e+00 : f32
      %max3A = vector.broadcast %jit3A : f32 to vector<256x512xf32>
      %max3A_45 = arith.maximumf %max3A, %dot_general3A_41 : vector<256x512xf32>
      %min3A_46 = vector.broadcast %jit3A_44 : f32 to vector<256x512xf32>
      %min3A_47 = arith.minimumf %min3A_46, %max3A_45 : vector<256x512xf32>
      %logistic3A = arith.negf %min3A_43 : vector<256x512xf32>
      %logistic3A_48 = math.exp %logistic3A : vector<256x512xf32>
      %logistic3A_49 = arith.constant 1.000000e+00 : f32
      %logistic3A_50 = vector.broadcast %logistic3A_49 : f32 to vector<256x512xf32>
      %logistic3A_51 = arith.addf %logistic3A_50, %logistic3A_48 : vector<256x512xf32>
      %logistic3A_52 = arith.divf %logistic3A_50, %logistic3A_51 : vector<256x512xf32>
      %mul3A_53 = arith.mulf %min3A_43, %logistic3A_52 : vector<256x512xf32>
      %mul3A_54 = arith.mulf %mul3A_53, %min3A_47 : vector<256x512xf32>
      %convert_element_type3A_55 = arith.truncf %mul3A_54 : vector<256x512xf32> to vector<256x512xbf16>
      %dot_general3A_56 = arith.constant dense<0.000000e+00> : vector<256x1024xf32>
      %dot_general3A_57 = tpu.matmul %convert_element_type3A_55, %convert_element_type3A_20, %dot_general3A_56 {dimension_numbers = #tpu.dot_dimension_numbers<[1], [1], [0], [0], [0, 0, 1, 0], [], []>, transpose_lhs_hint = false} : vector<256x512xbf16>, vector<1024x512xbf16>, vector<256x1024xf32> -> vector<256x1024xf32>
      %swap3A = arith.index_cast %add3A_34 : i32 to index
      %swap3A_58 = arith.constant 0 : index
      %swap3A_59 = vector.load %arg6[%swap3A, %swap3A_58] : memref<5376x1024xf32, #tpu.memory_space<vmem>>, vector<256x1024xf32>
      tpu.vector_store %arg6[%swap3A, %swap3A_58], %dot_general3A_57 {strides = array<i32>} : memref<5376x1024xf32, #tpu.memory_space<vmem>>, vector<256x1024xf32>,
    }
    return
  }
  func.func @transform_0(%arg0: i32, %arg1: memref<32xi32, #tpu.memory_space<smem>>) -> (i32, i32) {
    %c0_i32 = arith.constant 0 : i32
    %c0_i32_0 = arith.constant 0 : i32
    %c0_i32_1 = arith.constant 0 : i32
    return %c0_i32, %c0_i32_0 : i32, i32
  }
  func.func @transform_1(%arg0: i32, %arg1: memref<32xi32, #tpu.memory_space<smem>>) -> (i32, i32, i32) {
    %c0_i32 = arith.constant 0 : i32
    %c0_i32_0 = arith.constant 0 : i32
    %c0_i32_1 = arith.constant 0 : i32
    return %arg0, %c0_i32, %c0_i32_0 : i32, i32, i32
  }
  func.func @transform_2(%arg0: i32, %arg1: memref<32xi32, #tpu.memory_space<smem>>) -> (i32, i32, i32) {
    %c0_i32 = arith.constant 0 : i32
    %c0_i32_0 = arith.constant 0 : i32
    %c0_i32_1 = arith.constant 0 : i32
    return %arg0, %c0_i32, %c0_i32_0 : i32, i32, i32
  }
  func.func @transform_3(%arg0: i32, %arg1: memref<32xi32, #tpu.memory_space<smem>>) -> (i32, i32, i32) {
    %c0_i32 = arith.constant 0 : i32
    %c0_i32_0 = arith.constant 0 : i32
    %c0_i32_1 = arith.constant 0 : i32
    return %arg0, %c0_i32, %c0_i32_0 : i32, i32, i32
  }
  func.func @transform_4(%arg0: i32, %arg1: memref<32xi32, #tpu.memory_space<smem>>) -> (i32, i32) {
    %c0_i32 = arith.constant 0 : i32
    %c0_i32_0 = arith.constant 0 : i32
    %c0_i32_1 = arith.constant 0 : i32
    return %c0_i32, %c0_i32_0 : i32, i32
  }
}

</mosaic_0001>

<sc_bundles>
// kernel: kernel.10.cloned.1.call-start
scs
__scs_entry_jumppad:
0x0: {  	(pc) =	sbr.rel $0x88, $3  }
0x1: {  	(tag) =	ssettag $0x0;
	lr =	simm.s32 $0x1  }
0x2: {  	[smem:$0x3F99] =	sst lr;
	_ =	strace $0xD0000000  }
0x3: {  	_ = 	snop  }
0x4: {  	_ = 	snop  }
0x5: {  	_ = 	snop  }
0x6: {  	_ = 	snop  }
0x7: {  	_ = 	snop  }
__scs_overlays_trampoline_lowered:
0x8: {  	[smem:$0x3FA8] =	sst s0  }
0x9: {  	[smem:$0x3FA9] =	sst s1  }
0xa: {  	[smem:$0x3FAA] =	sst s2  }
0xb: {  	[smem:$0x3FAB] =	sst s3  }
0xc: {  	[smem:$0x3FAC] =	sst s4  }
0xd: {  	[smem:$0x3FAD] =	sst s5  }
0xe: {  	[smem:$0x3FAE] =	sst s6  }
0xf: {  	[smem:$0x3FAF] =	sst s7  }
0x10: {  	[smem:$0x3FB0] =	sst s8  }
0x11: {  	[smem:$0x3FB1] =	sst s9;
	s0 =	simm.s32 @!p0 $0x0  }
0x12: {  	s1 =	sld [smem:$0x3F97];
	s0 =	simm.s32 @p0 $0x1  }
0x13: {  	[smem:$0x3FB2] =	sst s0;
	s0 =	simm.s32 @!p1 $0x0  }
0x14: {  	s2 =	sld [smem:$0x3F96];
	s0 =	simm.s32 @p1 $0x1  }
0x15: {  	[smem:$0x3FB3] =	sst s0;
	s0 =	simm.s32 @!p2 $0x0  }
0x16: {  	s3 =	sld [smem:$0x3FDB];
	s0 =	simm.s32 @p2 $0x1  }
0x17: {  	s4 =	simm.s32 $0x1BF5;
	[smem:$0x3FB5] =	sst s0  }
0x18: {  	s0 =	sld [smem:$0x3F98];
	_ =	swait.ge [sflag:s4], $0x0  }
0x19: {  	s7 =	sld [smem:$0x3F99]  }
0x1a: {  	s8 =	sadd.s32 $0xFFFFE003, lr  }
0x1b: {  	s9 =	sadd.s32 $0xFFFFFEF7, lr;
	s5 =	simm.s32 $0xFFFFFFFF;
	p2 =	slt.u32 s8, $0xFFFFF086  }
0x1c: {  	p1 =	slt.u32 s9, $0xF7A;
	s5 =	simm.s32 @!p2 $0x0  }
0x1d: {  	s5 =	simm.s32 @p1 $0x1;
	p0 =	seq.s32 s7, s2  }
0x1e: {  	s7 =	smul.u32 @!p0 $0xF7A, s2;
	p2 =	seq.s32 @!p0 s5, $0x0  }
0x1f: {  	s9 =	smul.u32 $0xF7A, s1;
	s8 =	simm.s32 @!p0 $0x1BF5;
	p2 =	por !p2, p0  }
0x20: {  	[sflag:s8] =	ssyncset.s32 @!p0 $0xFFFFF086;
	s6 =	sadd.s32 @!p0 s3, s7;
	s7 =	simm.s32 @!p0 $0x108  }
0x21: {  	s3 =	sadd.s32 s3, s9;
	s6 =	sadd.s32 @!p0 $0x88, s6;
	s7 =	simm.s32 @p2 $0x1082  }
0x22: {  	[simem:s7], [sflag:s8] =	dma.local @!p0 [hbm:s6], $0xF7A  }
0x23: {  	s9 =	sor.u32 $0xD0000000, s2;
	s6 =	simm.s32 $0x108;
	_ =	swait.ge @!p0 [sflag:s8], $0x0  }
0x24: {  	s3 =	sadd.s32 $0x88, s3;
	s6 =	simm.s32 @!p1 $0x1082;
	[sflag:s4] =	ssyncset.s32 $0xFFFFF086  }
0x25: {  	[simem:s6], [sflag:s4] =	dma.local [hbm:s3], $0xF7A  }
0x26: {  	[smem:$0x3F99] =	sst s1;
	(tag) =	ssettag s2;
	_ =	strace s9  }
0x27: {  	s1 =	sld [smem:$0x3FA9]  }
0x28: {  	s2 =	sld [smem:$0x3FAA]  }
0x29: {  	s4 =	sld [smem:$0x3FAC]  }
0x2a: {  	p0 =	seq.s32 s5, $0x0;
	s5 =	sld [smem:$0x3FAD]  }
0x2b: {  	s6 =	sld [smem:$0x3FAE]  }
0x2c: {  	s7 =	sld [smem:$0x3FAF]  }
0x2d: {  	s3 =	simm.s32 $0x108;
	s8 =	sld [smem:$0x3FB0]  }
0x2e: {  	s3 =	simm.s32 @!p0 $0x1082;
	s9 =	sld [smem:$0x3FB1]  }
0x2f: {  	lr =	sadd.s32 s0, s3;
	s0 =	sld [smem:$0x3FA8]  }
0x30: {  	s3 =	sld [smem:$0x3FAB]  }
0x31: {  	[smem:$0x3FB4] =	sst s10  }
0x32: {  	s10 =	sld [smem:$0x3FB2];
	_ =	sdelay $0x3  }
0x33: {  	p0 =	seq.s32 s10, $0x1;
	s10 =	sld [smem:$0x3FB4];
	_ =	sdelay $0x3  }
0x34: {  	[smem:$0x3FB4] =	sst s10  }
0x35: {  	s10 =	sld [smem:$0x3FB3];
	_ =	sdelay $0x3  }
0x36: {  	p1 =	seq.s32 s10, $0x1;
	s10 =	sld [smem:$0x3FB4];
	_ =	sdelay $0x3  }
0x37: {  	[smem:$0x3FB4] =	sst s10  }
0x38: {  	s10 =	sld [smem:$0x3FB5]  }
0x39: {  	_ = 	snop;
	(pc) =	sbr.ind lr, $3  }
0x3a: {  	_ = 	snop  }
0x3b: {  	_ = 	snop  }
0x3c: {  	p2 =	seq.s32 s10, $0x1;
	s10 =	sld [smem:$0x3FB4]  }
0x3d: {  	_ =	shalt  }
0x3e: {  	_ =	shalt  }
0x3f: {  	_ =	shalt  }
0x40: {  	_ =	shalt  }
0x41: {  	_ =	shalt  }
0x42: {  	_ =	shalt  }
0x43: {  	_ =	shalt  }
0x44: {  	_ =	shalt  }
0x45: {  	_ =	shalt  }
0x46: {  	_ =	shalt  }
0x47: {  	_ =	shalt  }
0x48: {  	_ =	shalt  }
0x49: {  	_ =	shalt  }
0x4a: {  	_ =	shalt  }
0x4b: {  	_ =	shalt  }
0x4c: {  	_ =	shalt  }
0x4d: {  	_ =	shalt  }
0x4e: {  	_ =	shalt  }
0x4f: {  	_ =	shalt  }
0x50: {  	_ =	shalt  }
0x51: {  	_ =	shalt  }
0x52: {  	_ =	shalt  }
0x53: {  	_ =	shalt  }
0x54: {  	_ =	shalt  }
0x55: {  	_ =	shalt  }
0x56: {  	_ =	shalt  }
0x57: {  	_ =	shalt  }
0x58: {  	_ =	shalt  }
0x59: {  	_ =	shalt  }
0x5a: {  	_ =	shalt  }
0x5b: {  	_ =	shalt  }
0x5c: {  	_ =	shalt  }
0x5d: {  	_ =	shalt  }
0x5e: {  	_ =	shalt  }
0x5f: {  	_ =	shalt  }
0x60: {  	_ =	shalt  }
0x61: {  	_ =	shalt  }
0x62: {  	_ =	shalt  }
0x63: {  	_ =	shalt  }
0x64: {  	_ =	shalt  }
0x65: {  	_ =	shalt  }
0x66: {  	_ =	shalt  }
0x67: {  	_ =	shalt  }
0x68: {  	_ =	shalt  }
0x69: {  	_ =	shalt  }
0x6a: {  	_ =	shalt  }
0x6b: {  	_ =	shalt  }
0x6c: {  	_ =	shalt  }
0x6d: {  	_ =	shalt  }
0x6e: {  	_ =	shalt  }
0x6f: {  	_ =	shalt  }
0x70: {  	_ =	shalt  }
0x71: {  	_ =	shalt  }
0x72: {  	_ =	shalt  }
0x73: {  	_ =	shalt  }
0x74: {  	_ =	shalt  }
0x75: {  	_ =	shalt  }
0x76: {  	_ =	shalt  }
0x77: {  	_ =	shalt  }
0x78: {  	_ =	shalt  }
0x79: {  	_ =	shalt  }
0x7a: {  	_ =	shalt  }
0x7b: {  	_ =	shalt  }
0x7c: {  	_ =	shalt  }
0x7d: {  	_ =	shalt  }
0x7e: {  	_ =	shalt  }
0x7f: {  	_ =	shalt  }
0x80: {  	_ =	shalt  }
0x81: {  	_ =	shalt  }
0x82: {  	_ =	shalt  }
0x83: {  	_ =	shalt  }
0x84: {  	_ =	shalt  }
0x85: {  	_ =	shalt  }
0x86: {  	_ =	shalt  }
0x87: {  	_ =	shalt  }
.Lfunc_end0:
.L_simem_size_0:
called_computation.1_lowered:
.L_overlay_start_0:
0x88: {  	s2 =	sld [smem:$0x3FD9]  }
0x89: {  	s3 =	sld [smem:$0x3FFE];
	_ =	sdelay $0x1  }
0x8a: {  	s1 =	srdreg.scid  }
0x8b: {  	s0 =	sand.u32 $0x1, s1  }
0x8c: {  	s16 =	sshll.u32 s0, $0xA;
	s2 =	sadd.s32 s3, s2  }
0x8d: {  	s2 =	sadd.s32 s2, s16  }
0x8e: {  	[smem:$0x3FC0] =	sst s2  }
0x8f: {  	_ = 	snop  }
0x90: {  	(tm) =	ssettm $0x1  }
0x91: {  	s17 =	sld [smem:$0x3FFB];
	_ =	sdelay $0x3  }
0x92: {  	_ =	strace s17  }
0x93: {  	s2 =	sld [smem:$0x3FFC];
	_ =	sdelay $0x3  }
0x94: {  	_ =	strace s2  }
0x95: {  	s2 =	sld [smem:$0x3FFD];
	_ =	sdelay $0x3  }
0x96: {  	_ =	strace s2  }
0x97: {  	_ =	strace $0x8FFFFFFF  }
0x98: {  	s18 =	sld [smem:$0x3FDB];
	_ =	sdelay $0x1  }
0x99: {  	s19 =	simm.s32 $_scs_section_size  }
0x9a: {  	s4 =	simm.s32 $_size__tile_overlayer_lowered;
	s5 =	simm.s32 $_tile_overlayer_lowered  }
0x9b: {  	s22 =	simm.s32 $0x1BFF;
	s21 =	sshll.u32 s5, $0x1;
	s2 =	sadd.s32 s19, s18  }
0x9c: {  	s6 =	simm.s32 $0x0;
	s20 =	sshll.u32 s4, $0x1;
	s4 =	sadd.s32 s21, s2  }
0x9d: {  	[timem:s6], [sflag:s22] =	dma.local [hbm:s4], s20  }
0x9e: {  	_ =	swait.ge [sflag:s22], s20  }
0x9f: {  	s3 =	ssub.s32 $0x0, s20;
	[sflag:s22] =	ssyncset.done $0x0  }
0xa0: {  	[sflag:s22] =	ssyncadd.s32 s3;
	_ =	sdelay $0x1  }
0xa1: {  	s23 =	simm.s32 $0x1B8B  }
0xa2: {  	_ =	swait.ge [sflag:s23], $0x1  }
0xa3: {  	[sflag:s23] =	ssyncset.done $0x0  }
0xa4: {  	s25 =	simm.s32 $0x1B8E;
	s24 =	sld [smem:$0x3FFE];
	[sflag:s23] =	ssyncadd.s32 $0xFFFFFFFF  }
0xa5: {  	s26 =	simm.s32 $execute0_lowered;
	[smem:$0x3FD2] =	sst s25  }
0xa6: {  	s4 =	sshll.u32 s26, $0x1;
	_ =	strace $0x80000049;
	[dreg:$0x1] =	wrdreg $0xFFFFFFFF  }
0xa7: {  	s28 =	simm.s32 $_size_execute0_lowered;
	s2 =	sadd.s32 s2, s4;
	[dreg:$0x0] =	wrdreg $0x0  }
0xa8: {  	s4 =	sshll.u32 s28, $0x1;
	[dreg:$0x2] =	wrdreg s2  }
0xa9: {  	[dreg:$0x3] =	wrdreg s4  }
0xaa: {  	[dreg:$0x4] =	wrdreg $0xC0  }
0xab: {  	_ =	task [dreg:s6], $0x5FFFF  }
0xac: {  	[dreg:$0x1] =	wrdreg $0xFFFFFFFF  }
0xad: {  	[dreg:$0x0] =	wrdreg $0x60  }
0xae: {  	[dreg:$0x2] =	wrdreg s24  }
0xaf: {  	[dreg:$0x3] =	wrdreg $0x9  }
0xb0: {  	_ =	task.clear_ibuf [dreg:s6], $0x4FFFF;
	_ =	strace $0x90000049  }
0xb1: {  	s29 =	simm.s32 $0x9;
	_ =	strace $0x8000004B  }
0xb2: {  	_ =	swait.ge [sflag:s29], $0x1  }
0xb3: {  	[sflag:s29] =	ssyncadd.s32 $0xFFFFFFFF  }
0xb4: {  	_ =	strace $0x9000004B  }
0xb5: {  	_ =	sfence  }
0xb6: {  	s30 =	sld [smem:$0x0];
	_ =	sdelay $0x2  }
0xb7: {  	s31 =	sshll.u32 s1, $0xD;
	s1 =	sshrl.u32 s1, $0x2  }
0xb8: {  	s3 =	sand.u32 $0x4000, s31;
	s1 =	sadd.s32 s1, s30  }
0xb9: {  	s0 =	sor.u32 s3, s0;
	s1 =	sshll.u32 s1, $0x11  }
0xba: {  	s0 =	sor.u32 s1, s0  }
0xbb: {  	s0 =	sadd.s32 $0x8F2B, s0  }
0xbc: {  	[sflag:s0] =	ssyncadd.remote.s32 $0x1  }
0xbd: {  	_ =	sfence.sel $0xFFFF  }
0xbe: {  	[dreg:$0x0] =	wrdreg $0xFFFFFFFF;
	(pc) =	sbr.abs _section_cstart, $3  }
0xbf: {  	[dreg:$0x1] =	wrdreg $0xFFFFFFFF  }
0xc0: {  	_ =	task.clear_ibuf [dreg:s6], $0x2FFFF;
	_ =	strace $0x9FFFFFFF  }
0xc1: {  	(tm) =	ssettm $0x7FFFFFFF  }
tec
execute0_lowered:
.L_overlay_start_1:
0x0: {  	(tag) =	ssettag $0x1  }
0x1: {  	s0 =	rddreg [dreg:$0x0];
	s1 =	srdreg.scid  }
0x2: {  	s2 =	simm.s32 $0x0;
	s3 =	stileid.u32;
	s9 =	simm.s32 $0x2  }
0x3: {  	s17 =	simm.s32 $0x1;
	s19 =	simm.s32 $0x10000;
	s20 =	simm.s32 $0x800  }
0x4: {  	s21 =	simm.s32 $0x1000;
	s22 =	simm.s32 $0x1800;
	s28 =	simm.s32 $0x4000  }
0x5: {  	s29 =	simm.s32 $0x4800;
	s30 =	simm.s32 $0x5000;
	s31 =	simm.s32 $0x5800  }
0x6: {  	s10 =	simm.s32 $0x7800;
	s11 =	simm.s32 $0x8000;
	s12 =	simm.s32 $0x8800  }
0x7: {  	s13 =	simm.s32 $0x9000;
	s14 =	simm.s32 $0x9800;
	s15 =	simm.s32 $0xA000  }
0x8: {  	s16 =	simm.s32 $0xA800;
	s1 =	sand.u32 $0x1, s1;
	[smem:$0x7FF] =	sst s2  }
0x9: {  	s3 =	sshll.u32 s3, $0x7;
	s4 =	sshll.u32 s1, $0x6;
	_ =	strace $0x8000004A  }
0xa: {  	s1 =	ssub.s32 $0x2, s1;
	s4 =	sor.u32 s4, s3;
	s3 =	sadd.s32 $0xA9A00, s0  }
0xb: {  	s23 =	sshrl.u32 s1, $0x1;
	s5 =	sshrl.u32 s4, $0x3;
	s4 =	sshll.u32 s4, $0x7  }
0xc: {  	s1 =	ssub.s32 s1, s23;
	s23 =	simm.s32 $0x2000;
	s6 =	sadd.s32 s5, s0  }
0xd: {  	s7 =	sadd.s32 s4, s0;
	s4 =	sadd.s32 $0xA9B00, s0;
	s24 =	sadd.s32 $0x1800, s6  }
0xe: {  	s5 =	sadd.s32 $0xA9C00, s0;
	s8 =	sadd.s32 $0x1A00, s7;
	[dreg:$0x2] =	wrdreg s24  }
0xf: {  	s25 =	sadd.s32 $0x1600, s6;
	s6 =	sadd.s32 $0xA9D00, s0;
	[dreg:$0x3] =	wrdreg s8  }
0x10: {  	v2 =	vlaneseq.u32;
	s26 =	sadd.s32 $0x41A00, s7;
	s7 =	smax.u32 s1, $0x1;
	[dreg:$0x4] =	wrdreg s25  }
0x11: {  	vm0 =	vmmov $0xffff;
	v1 =	vshrl.u32 v2, $0x3;
	s1 =	simm.s32 $0x6800;
	[dreg:$0x5] =	wrdreg s26;
	s24 =	simm.s32 $0x2800  }
0x12: {  	v0 =	vand.u32 $0x7, v2;
	v2 =	vor.u32 $0x8, v2;
	v1 =	vmul.u32 $0x8, v1;
	s25 =	simm.s32 $0x3000;
	s26 =	simm.s32 $0x3800;
	s8 =	simm.s32 $0x7000  }
.LBB2_1:
0x13: {  	s18 =	rddreg [dreg:$0x2]  }
0x14: {  	[tilespmem:s19], [sflag:$0x2] =	stream.linear.gather [hbm4b:s18+s2], $0x40, $0x38;
	[tilespmem:$0x10080] =	vst v63  }
0x15: {  	_ =	swait.ge [sflag:s9], $0x40  }
0x16: {  	[sflag:s9] =	ssyncset.done $0x0  }
0x17: {  	[sflag:s9] =	ssyncadd.s32 $0xFFFFFFC0  }
0x18: {  	v3 =	vld [tilespmem:$0x10000];
	_ =	sdelay $0x4  }
0x19: {  	v4 =	vshll.u32 v3, $0x3  }
0x1a: {  	v3 =	vand.u32 $0x7, v3;
	v4 =	vand.u32 $0xFFFFFFC0, v4  }
0x1b: {  	v3 =	vor.u32 v3, v4  }
0x1c: {  	v4 =	vperm.xlane v3, v0;
	_ =	sdelay $0x1  }
0x1d: {  	v4 =	vadd.s32 v1, v4;
	_ =	sdelay $0x4  }
0x1e: {  	[tilespmem:s2], [sflag:$0x1] =	stream.indirect_vreg.gather [hbm4b:s3+s2], $0x80, v4, vm0, $0xb8;
	[tilespmem:$0x10080] =	vst v63  }
0x1f: {  	v3 =	vperm.xlane v3, v2  }
0x20: {  	[tilespmem:s20], [sflag:$0x1] =	stream.indirect_vreg.gather [hbm4b:s4+s2], $0x80, v4, vm0, $0xb8;
	[tilespmem:$0x10080] =	vst v63  }
0x21: {  	v3 =	vadd.s32 v1, v3  }
0x22: {  	[tilespmem:s21], [sflag:$0x1] =	stream.indirect_vreg.gather [hbm4b:s5+s2], $0x80, v4, vm0, $0xb8;
	[tilespmem:$0x10080] =	vst v63  }
0x23: {  	_ = 	snop  }
0x24: {  	[tilespmem:s22], [sflag:$0x1] =	stream.indirect_vreg.gather [hbm4b:s6+s2], $0x80, v4, vm0, $0xb8;
	[tilespmem:$0x10080] =	vst v63  }
0x25: {  	_ = 	snop  }
0x26: {  	[tilespmem:s23], [sflag:$0x1] =	stream.indirect_vreg.gather [hbm4b:s3+s2], $0x80, v3, vm0, $0xb8;
	[tilespmem:$0x10080] =	vst v63  }
0x27: {  	_ = 	snop  }
0x28: {  	[tilespmem:s24], [sflag:$0x1] =	stream.indirect_vreg.gather [hbm4b:s4+s2], $0x80, v3, vm0, $0xb8;
	[tilespmem:$0x10080] =	vst v63  }
0x29: {  	_ = 	snop  }
0x2a: {  	[tilespmem:s25], [sflag:$0x1] =	stream.indirect_vreg.gather [hbm4b:s5+s2], $0x80, v3, vm0, $0xb8;
	[tilespmem:$0x10080] =	vst v63  }
0x2b: {  	_ = 	snop  }
0x2c: {  	[tilespmem:s26], [sflag:$0x1] =	stream.indirect_vreg.gather [hbm4b:s6+s2], $0x80, v3, vm0, $0xb8;
	[tilespmem:$0x10080] =	vst v63  }
0x2d: {  	v3 =	vld [tilespmem:$0x10010];
	_ =	sdelay $0x4  }
0x2e: {  	v57 =	vshll.u32 v3, $0x3  }
0x2f: {  	v3 =	vand.u32 $0x7, v3;
	v4 =	vand.u32 $0xFFFFFFC0, v57  }
0x30: {  	v3 =	vor.u32 v3, v4  }
0x31: {  	v4 =	vperm.xlane v3, v0;
	_ =	sdelay $0x1  }
0x32: {  	v4 =	vadd.s32 v1, v4;
	_ =	sdelay $0x4  }
0x33: {  	[tilespmem:s28], [sflag:$0x1] =	stream.indirect_vreg.gather [hbm4b:s3+s2], $0x80, v4, vm0, $0xb8;
	[tilespmem:$0x10080] =	vst v63  }
0x34: {  	v3 =	vperm.xlane v3, v2  }
0x35: {  	[tilespmem:s29], [sflag:$0x1] =	stream.indirect_vreg.gather [hbm4b:s4+s2], $0x80, v4, vm0, $0xb8;
	[tilespmem:$0x10080] =	vst v63  }
0x36: {  	v3 =	vadd.s32 v1, v3  }
0x37: {  	[tilespmem:s30], [sflag:$0x1] =	stream.indirect_vreg.gather [hbm4b:s5+s2], $0x80, v4, vm0, $0xb8;
	[tilespmem:$0x10080] =	vst v63  }
0x38: {  	_ = 	snop  }
0x39: {  	[tilespmem:s31], [sflag:$0x1] =	stream.indirect_vreg.gather [hbm4b:s6+s2], $0x80, v4, vm0, $0xb8;
	[tilespmem:$0x10080] =	vst v63  }
0x3a: {  	s0 =	simm.s32 $0x6000  }
0x3b: {  	[tilespmem:s0], [sflag:$0x1] =	stream.indirect_vreg.gather [hbm4b:s3+s2], $0x80, v3, vm0, $0xb8;
	[tilespmem:$0x10080] =	vst v63  }
0x3c: {  	_ = 	snop  }
0x3d: {  	[tilespmem:s1], [sflag:$0x1] =	stream.indirect_vreg.gather [hbm4b:s4+s2], $0x80, v3, vm0, $0xb8;
	[tilespmem:$0x10080] =	vst v63  }
0x3e: {  	_ = 	snop  }
0x3f: {  	[tilespmem:s8], [sflag:$0x1] =	stream.indirect_vreg.gather [hbm4b:s5+s2], $0x80, v3, vm0, $0xb8;
	[tilespmem:$0x10080] =	vst v63  }
0x40: {  	_ = 	snop  }
0x41: {  	[tilespmem:s10], [sflag:$0x1] =	stream.indirect_vreg.gather [hbm4b:s6+s2], $0x80, v3, vm0, $0xb8;
	[tilespmem:$0x10080] =	vst v63  }
0x42: {  	v3 =	vld [tilespmem:$0x10020];
	_ =	sdelay $0x4  }
0x43: {  	v58 =	vshll.u32 v3, $0x3  }
0x44: {  	v3 =	vand.u32 $0x7, v3;
	v4 =	vand.u32 $0xFFFFFFC0, v58  }
0x45: {  	v3 =	vor.u32 v3, v4  }
0x46: {  	v4 =	vperm.xlane v3, v0;
	_ =	sdelay $0x1  }
0x47: {  	v4 =	vadd.s32 v1, v4;
	_ =	sdelay $0x4  }
0x48: {  	[tilespmem:s11], [sflag:$0x1] =	stream.indirect_vreg.gather [hbm4b:s3+s2], $0x80, v4, vm0, $0xb8;
	[tilespmem:$0x10080] =	vst v63  }
0x49: {  	v3 =	vperm.xlane v3, v2  }
0x4a: {  	[tilespmem:s12], [sflag:$0x1] =	stream.indirect_vreg.gather [hbm4b:s4+s2], $0x80, v4, vm0, $0xb8;
	[tilespmem:$0x10080] =	vst v63  }
0x4b: {  	v3 =	vadd.s32 v1, v3  }
0x4c: {  	[tilespmem:s13], [sflag:$0x1] =	stream.indirect_vreg.gather [hbm4b:s5+s2], $0x80, v4, vm0, $0xb8;
	[tilespmem:$0x10080] =	vst v63  }
0x4d: {  	_ = 	snop  }
0x4e: {  	[tilespmem:s14], [sflag:$0x1] =	stream.indirect_vreg.gather [hbm4b:s6+s2], $0x80, v4, vm0, $0xb8;
	[tilespmem:$0x10080] =	vst v63  }
0x4f: {  	_ = 	snop  }
0x50: {  	[tilespmem:s15], [sflag:$0x1] =	stream.indirect_vreg.gather [hbm4b:s3+s2], $0x80, v3, vm0, $0xb8;
	[tilespmem:$0x10080] =	vst v63  }
0x51: {  	_ = 	snop  }
0x52: {  	[tilespmem:s16], [sflag:$0x1] =	stream.indirect_vreg.gather [hbm4b:s4+s2], $0x80, v3, vm0, $0xb8;
	[tilespmem:$0x10080] =	vst v63  }
0x53: {  	s18 =	simm.s32 $0xB000  }
0x54: {  	[tilespmem:s18], [sflag:$0x1] =	stream.indirect_vreg.gather [hbm4b:s5+s2], $0x80, v3, vm0, $0xb8;
	[tilespmem:$0x10080] =	vst v63  }
0x55: {  	s18 =	simm.s32 $0xB800  }
0x56: {  	[tilespmem:s18], [sflag:$0x1] =	stream.indirect_vreg.gather [hbm4b:s6+s2], $0x80, v3, vm0, $0xb8;
	[tilespmem:$0x10080] =	vst v63  }
0x57: {  	v3 =	vld [tilespmem:$0x10030];
	_ =	sdelay $0x4  }
0x58: {  	v59 =	vshll.u32 v3, $0x3  }
0x59: {  	v3 =	vand.u32 $0x7, v3;
	v4 =	vand.u32 $0xFFFFFFC0, v59  }
0x5a: {  	v3 =	vor.u32 v3, v4  }
0x5b: {  	v4 =	vperm.xlane v3, v0;
	_ =	sdelay $0x1  }
0x5c: {  	v4 =	vadd.s32 v1, v4;
	_ =	sdelay $0x3  }
0x5d: {  	s18 =	simm.s32 $0xC000  }
0x5e: {  	[tilespmem:s18], [sflag:$0x1] =	stream.indirect_vreg.gather [hbm4b:s3+s2], $0x80, v4, vm0, $0xb8;
	[tilespmem:$0x10080] =	vst v63  }
0x5f: {  	v3 =	vperm.xlane v3, v2;
	s18 =	simm.s32 $0xC800  }
0x60: {  	[tilespmem:s18], [sflag:$0x1] =	stream.indirect_vreg.gather [hbm4b:s4+s2], $0x80, v4, vm0, $0xb8;
	[tilespmem:$0x10080] =	vst v63  }
0x61: {  	v3 =	vadd.s32 v1, v3;
	s18 =	simm.s32 $0xD000  }
0x62: {  	[tilespmem:s18], [sflag:$0x1] =	stream.indirect_vreg.gather [hbm4b:s5+s2], $0x80, v4, vm0, $0xb8;
	[tilespmem:$0x10080] =	vst v63  }
0x63: {  	s18 =	simm.s32 $0xD800  }
0x64: {  	[tilespmem:s18], [sflag:$0x1] =	stream.indirect_vreg.gather [hbm4b:s6+s2], $0x80, v4, vm0, $0xb8;
	[tilespmem:$0x10080] =	vst v63  }
0x65: {  	s18 =	simm.s32 $0xE000  }
0x66: {  	[tilespmem:s18], [sflag:$0x1] =	stream.indirect_vreg.gather [hbm4b:s3+s2], $0x80, v3, vm0, $0xb8;
	[tilespmem:$0x10080] =	vst v63  }
0x67: {  	s18 =	simm.s32 $0xE800  }
0x68: {  	[tilespmem:s18], [sflag:$0x1] =	stream.indirect_vreg.gather [hbm4b:s4+s2], $0x80, v3, vm0, $0xb8;
	[tilespmem:$0x10080] =	vst v63  }
0x69: {  	s18 =	simm.s32 $0xF000  }
0x6a: {  	[tilespmem:s18], [sflag:$0x1] =	stream.indirect_vreg.gather [hbm4b:s5+s2], $0x80, v3, vm0, $0xb8;
	[tilespmem:$0x10080] =	vst v63  }
0x6b: {  	s18 =	simm.s32 $0xF800  }
0x6c: {  	[tilespmem:s18], [sflag:$0x1] =	stream.indirect_vreg.gather [hbm4b:s6+s2], $0x80, v3, vm0, $0xb8;
	[tilespmem:$0x10080] =	vst v63  }
0x6d: {  	_ =	swait.ge [sflag:s17], $0x10000  }
0x6e: {  	[sflag:s17] =	ssyncset.done $0x0  }
0x6f: {  	s18 =	rddreg [dreg:$0x3];
	[sflag:s17] =	ssyncadd.s32 $0xFFFF0000  }
0x70: {  	[hbm4b:s18+s2] =	stream.linear.scatter [tilespmem:s2], [sflag:$0x2], $0x10000, $0x38;
	[tilespmem:$0x10080] =	vst v63  }
0x71: {  	_ =	swait.ge [sflag:s9], $0x10000  }
0x72: {  	[sflag:s9] =	ssyncset.done $0x0  }
0x73: {  	s18 =	rddreg [dreg:$0x4];
	[sflag:s9] =	ssyncadd.s32 $0xFFFF0000  }
0x74: {  	[tilespmem:s19], [sflag:$0x2] =	stream.linear.gather [hbm4b:s18+s2], $0x40, $0x38;
	[tilespmem:$0x10080] =	vst v63  }
0x75: {  	_ =	swait.ge [sflag:s9], $0x40  }
0x76: {  	[sflag:s9] =	ssyncset.done $0x0  }
0x77: {  	[sflag:s9] =	ssyncadd.s32 $0xFFFFFFC0  }
0x78: {  	v3 =	vld [tilespmem:$0x10000];
	_ =	sdelay $0x4  }
0x79: {  	v60 =	vshll.u32 v3, $0x3  }
0x7a: {  	v3 =	vand.u32 $0x7, v3;
	v4 =	vand.u32 $0xFFFFFFC0, v60  }
0x7b: {  	v3 =	vor.u32 v3, v4  }
0x7c: {  	v4 =	vperm.xlane v3, v0;
	_ =	sdelay $0x1  }
0x7d: {  	v4 =	vadd.s32 v1, v4;
	_ =	sdelay $0x4  }
0x7e: {  	[tilespmem:s2], [sflag:$0x1] =	stream.indirect_vreg.gather [hbm4b:s3+s2], $0x80, v4, vm0, $0xb8;
	[tilespmem:$0x10080] =	vst v63  }
0x7f: {  	v3 =	vperm.xlane v3, v2  }
0x80: {  	[tilespmem:s20], [sflag:$0x1] =	stream.indirect_vreg.gather [hbm4b:s4+s2], $0x80, v4, vm0, $0xb8;
	[tilespmem:$0x10080] =	vst v63  }
0x81: {  	v3 =	vadd.s32 v1, v3  }
0x82: {  	[tilespmem:s21], [sflag:$0x1] =	stream.indirect_vreg.gather [hbm4b:s5+s2], $0x80, v4, vm0, $0xb8;
	[tilespmem:$0x10080] =	vst v63  }
0x83: {  	_ = 	snop  }
0x84: {  	[tilespmem:s22], [sflag:$0x1] =	stream.indirect_vreg.gather [hbm4b:s6+s2], $0x80, v4, vm0, $0xb8;
	[tilespmem:$0x10080] =	vst v63  }
0x85: {  	_ = 	snop  }
0x86: {  	[tilespmem:s23], [sflag:$0x1] =	stream.indirect_vreg.gather [hbm4b:s3+s2], $0x80, v3, vm0, $0xb8;
	[tilespmem:$0x10080] =	vst v63  }
0x87: {  	_ = 	snop  }
0x88: {  	[tilespmem:s24], [sflag:$0x1] =	stream.indirect_vreg.gather [hbm4b:s4+s2], $0x80, v3, vm0, $0xb8;
	[tilespmem:$0x10080] =	vst v63  }
0x89: {  	_ = 	snop  }
0x8a: {  	[tilespmem:s25], [sflag:$0x1] =	stream.indirect_vreg.gather [hbm4b:s5+s2], $0x80, v3, vm0, $0xb8;
	[tilespmem:$0x10080] =	vst v63  }
0x8b: {  	_ = 	snop  }
0x8c: {  	[tilespmem:s26], [sflag:$0x1] =	stream.indirect_vreg.gather [hbm4b:s6+s2], $0x80, v3, vm0, $0xb8;
	[tilespmem:$0x10080] =	vst v63  }
0x8d: {  	v3 =	vld [tilespmem:$0x10010];
	_ =	sdelay $0x4  }
0x8e: {  	v61 =	vshll.u32 v3, $0x3  }
0x8f: {  	v3 =	vand.u32 $0x7, v3;
	v4 =	vand.u32 $0xFFFFFFC0, v61  }
0x90: {  	v3 =	vor.u32 v3, v4  }
0x91: {  	v4 =	vperm.xlane v3, v0;
	_ =	sdelay $0x1  }
0x92: {  	v4 =	vadd.s32 v1, v4;
	_ =	sdelay $0x4  }
0x93: {  	[tilespmem:s28], [sflag:$0x1] =	stream.indirect_vreg.gather [hbm4b:s3+s2], $0x80, v4, vm0, $0xb8;
	[tilespmem:$0x10080] =	vst v63  }
0x94: {  	v3 =	vperm.xlane v3, v2  }
0x95: {  	[tilespmem:s29], [sflag:$0x1] =	stream.indirect_vreg.gather [hbm4b:s4+s2], $0x80, v4, vm0, $0xb8;
	[tilespmem:$0x10080] =	vst v63  }
0x96: {  	v3 =	vadd.s32 v1, v3  }
0x97: {  	[tilespmem:s30], [sflag:$0x1] =	stream.indirect_vreg.gather [hbm4b:s5+s2], $0x80, v4, vm0, $0xb8;
	[tilespmem:$0x10080] =	vst v63  }
0x98: {  	_ = 	snop  }
0x99: {  	[tilespmem:s31], [sflag:$0x1] =	stream.indirect_vreg.gather [hbm4b:s6+s2], $0x80, v4, vm0, $0xb8;
	[tilespmem:$0x10080] =	vst v63  }
0x9a: {  	_ = 	snop  }
0x9b: {  	[tilespmem:s0], [sflag:$0x1] =	stream.indirect_vreg.gather [hbm4b:s3+s2], $0x80, v3, vm0, $0xb8;
	[tilespmem:$0x10080] =	vst v63  }
0x9c: {  	_ = 	snop  }
0x9d: {  	[tilespmem:s1], [sflag:$0x1] =	stream.indirect_vreg.gather [hbm4b:s4+s2], $0x80, v3, vm0, $0xb8;
	[tilespmem:$0x10080] =	vst v63  }
0x9e: {  	_ = 	snop  }
0x9f: {  	[tilespmem:s8], [sflag:$0x1] =	stream.indirect_vreg.gather [hbm4b:s5+s2], $0x80, v3, vm0, $0xb8;
	[tilespmem:$0x10080] =	vst v63  }
0xa0: {  	_ = 	snop  }
0xa1: {  	[tilespmem:s10], [sflag:$0x1] =	stream.indirect_vreg.gather [hbm4b:s6+s2], $0x80, v3, vm0, $0xb8;
	[tilespmem:$0x10080] =	vst v63  }
0xa2: {  	v3 =	vld [tilespmem:$0x10020];
	_ =	sdelay $0x4  }
0xa3: {  	v62 =	vshll.u32 v3, $0x3  }
0xa4: {  	v3 =	vand.u32 $0x7, v3;
	v4 =	vand.u32 $0xFFFFFFC0, v62  }
0xa5: {  	v3 =	vor.u32 v3, v4  }
0xa6: {  	v4 =	vperm.xlane v3, v0;
	_ =	sdelay $0x1  }
0xa7: {  	v4 =	vadd.s32 v1, v4;
	_ =	sdelay $0x4  }
0xa8: {  	[tilespmem:s11], [sflag:$0x1] =	stream.indirect_vreg.gather [hbm4b:s3+s2], $0x80, v4, vm0, $0xb8;
	[tilespmem:$0x10080] =	vst v63  }
0xa9: {  	v3 =	vperm.xlane v3, v2  }
0xaa: {  	[tilespmem:s12], [sflag:$0x1] =	stream.indirect_vreg.gather [hbm4b:s4+s2], $0x80, v4, vm0, $0xb8;
	[tilespmem:$0x10080] =	vst v63  }
0xab: {  	v3 =	vadd.s32 v1, v3  }
0xac: {  	[tilespmem:s13], [sflag:$0x1] =	stream.indirect_vreg.gather [hbm4b:s5+s2], $0x80, v4, vm0, $0xb8;
	[tilespmem:$0x10080] =	vst v63  }
0xad: {  	_ = 	snop  }
0xae: {  	[tilespmem:s14], [sflag:$0x1] =	stream.indirect_vreg.gather [hbm4b:s6+s2], $0x80, v4, vm0, $0xb8;
	[tilespmem:$0x10080] =	vst v63  }
0xaf: {  	_ = 	snop  }
0xb0: {  	[tilespmem:s15], [sflag:$0x1] =	stream.indirect_vreg.gather [hbm4b:s3+s2], $0x80, v3, vm0, $0xb8;
	[tilespmem:$0x10080] =	vst v63  }
0xb1: {  	_ = 	snop  }
0xb2: {  	[tilespmem:s16], [sflag:$0x1] =	stream.indirect_vreg.gather [hbm4b:s4+s2], $0x80, v3, vm0, $0xb8;
	[tilespmem:$0x10080] =	vst v63  }
0xb3: {  	s18 =	simm.s32 $0xB000  }
0xb4: {  	[tilespmem:s18], [sflag:$0x1] =	stream.indirect_vreg.gather [hbm4b:s5+s2], $0x80, v3, vm0, $0xb8;
	[tilespmem:$0x10080] =	vst v63  }
0xb5: {  	s18 =	simm.s32 $0xB800  }
0xb6: {  	[tilespmem:s18], [sflag:$0x1] =	stream.indirect_vreg.gather [hbm4b:s6+s2], $0x80, v3, vm0, $0xb8;
	[tilespmem:$0x10080] =	vst v63  }
0xb7: {  	v3 =	vld [tilespmem:$0x10030];
	_ =	sdelay $0x4  }
0xb8: {  	v63 =	vshll.u32 v3, $0x3  }
0xb9: {  	v3 =	vand.u32 $0x7, v3;
	v4 =	vand.u32 $0xFFFFFFC0, v63  }
0xba: {  	v3 =	vor.u32 v3, v4  }
0xbb: {  	v4 =	vperm.xlane v3, v0;
	_ =	sdelay $0x1  }
0xbc: {  	v4 =	vadd.s32 v1, v4;
	_ =	sdelay $0x3  }
0xbd: {  	s18 =	simm.s32 $0xC000  }
0xbe: {  	[tilespmem:s18], [sflag:$0x1] =	stream.indirect_vreg.gather [hbm4b:s3+s2], $0x80, v4, vm0, $0xb8;
	[tilespmem:$0x10080] =	vst v63  }
0xbf: {  	v3 =	vperm.xlane v3, v2;
	s18 =	simm.s32 $0xC800  }
0xc0: {  	[tilespmem:s18], [sflag:$0x1] =	stream.indirect_vreg.gather [hbm4b:s4+s2], $0x80, v4, vm0, $0xb8;
	[tilespmem:$0x10080] =	vst v63  }
0xc1: {  	v3 =	vadd.s32 v1, v3;
	s18 =	simm.s32 $0xD000  }
0xc2: {  	[tilespmem:s18], [sflag:$0x1] =	stream.indirect_vreg.gather [hbm4b:s5+s2], $0x80, v4, vm0, $0xb8;
	[tilespmem:$0x10080] =	vst v63  }
0xc3: {  	s18 =	simm.s32 $0xD800  }
0xc4: {  	[tilespmem:s18], [sflag:$0x1] =	stream.indirect_vreg.gather [hbm4b:s6+s2], $0x80, v4, vm0, $0xb8;
	[tilespmem:$0x10080] =	vst v63  }
0xc5: {  	s18 =	simm.s32 $0xE000  }
0xc6: {  	[tilespmem:s18], [sflag:$0x1] =	stream.indirect_vreg.gather [hbm4b:s3+s2], $0x80, v3, vm0, $0xb8;
	[tilespmem:$0x10080] =	vst v63  }
0xc7: {  	s18 =	simm.s32 $0xE800  }
0xc8: {  	[tilespmem:s18], [sflag:$0x1] =	stream.indirect_vreg.gather [hbm4b:s4+s2], $0x80, v3, vm0, $0xb8;
	[tilespmem:$0x10080] =	vst v63  }
0xc9: {  	s18 =	simm.s32 $0xF000  }
0xca: {  	[tilespmem:s18], [sflag:$0x1] =	stream.indirect_vreg.gather [hbm4b:s5+s2], $0x80, v3, vm0, $0xb8;
	[tilespmem:$0x10080] =	vst v63  }
0xcb: {  	s18 =	simm.s32 $0xF800  }
0xcc: {  	[tilespmem:s18], [sflag:$0x1] =	stream.indirect_vreg.gather [hbm4b:s6+s2], $0x80, v3, vm0, $0xb8;
	[tilespmem:$0x10080] =	vst v63  }
0xcd: {  	_ =	swait.ge [sflag:s17], $0x10000  }
0xce: {  	p0 =	sne.s32 s7, $0x1;
	[sflag:s17] =	ssyncset.done $0x0  }
.Ltmp0:
0xcf: {  	s0 =	rddreg [dreg:$0x5];
	[sflag:s17] =	ssyncadd.s32 $0xFFFF0000;
	(pc) =	sbr.rel @p0 .LBB2_1-.Ltmp0, $4  }
0xd0: {  	[hbm4b:s0+s2] =	stream.linear.scatter [tilespmem:s2], [sflag:$0x2], $0x10000, $0x38;
	[tilespmem:$0x10080] =	vst v63  }
0xd1: {  	_ =	swait.ge [sflag:s9], $0x10000  }
0xd2: {  	[sflag:s9] =	ssyncset.done $0x0  }
0xd3: {  	s7 =	sadd.s32 $0xFFFFFFFF, s7;
	[sflag:s9] =	ssyncadd.s32 $0xFFFF0000  }
0xd4: {  	_ =	sfence.sel $0x180000  }
0xd5: {  	[bflag:$0x0] =	sbarrier.arrive $0xFFFF  }
0xd6: {  	_ =	strace $0x9000004A  }
0xd7: {  	s0 =	stileid.u32;
	[bflag:$0x2] =	sbarrier.arrive $0xFFFF  }
0xd8: {  	p0 =	sne.s32 s0, $0x0;
	s0 =	rddreg [dreg:$0x1]  }
0xd9: {  	s0 =	sadd.s32 @!p0 $0x100000, s0  }
0xda: {  	[sflag:s0] =	ssyncadd.tile.s32 @!p0 $0x1;
	_ =	shalt  }
.Lfunc_end2:
_tile_overlayer_lowered:
.L_overlay_start_2:
0xdb: {  	(tag) =	ssettag $0x2  }
0xdc: {  	s0 =	rddreg [dreg:$0x0];
	s2 =	stileid.u32  }
0xdd: {  	s1 =	rddreg [dreg:$0x1];
	p0 =	sne.s32 s2, $0x0  }
0xde: {  	s3 =	rddreg [dreg:$0x2];
	[bflag:$0x3] =	sbarrier.arrive $0xFFFF;
	s2 =	simm.s32 @!p0 $0x1C02  }
0xdf: {  	[timem:s3], [sflag:s2] =	dma.local @!p0 [hbm:s0], s1  }
0xe0: {  	s0 =	simm.s32 @!p0 $0x2  }
0xe1: {  	_ =	swait.ge @!p0 [sflag:s0], s1  }
0xe2: {  	s1 =	ssub.s32 @!p0 $0x0, s1;
	[sflag:s0] =	ssyncset.done @!p0 $0x0  }
0xe3: {  	[sflag:s0] =	ssyncadd.s32 @!p0 s1  }
0xe4: {  	[bflag:$0x3] =	sbarrier.arrive $0xFFFF  }
0xe5: {  	_ =	shalt  }

// kernel: kernel.7.cloned.1.call-start
scs
__scs_entry_jumppad:
0x0: {  	(pc) =	sbr.rel $0x88, $3  }
0x1: {  	(tag) =	ssettag $0x0;
	lr =	simm.s32 $0x1  }
0x2: {  	[smem:$0x3F99] =	sst lr;
	_ =	strace $0xD0000000  }
0x3: {  	_ = 	snop  }
0x4: {  	_ = 	snop  }
0x5: {  	_ = 	snop  }
0x6: {  	_ = 	snop  }
0x7: {  	_ = 	snop  }
__scs_overlays_trampoline_lowered:
0x8: {  	[smem:$0x3FA8] =	sst s0  }
0x9: {  	[smem:$0x3FA9] =	sst s1  }
0xa: {  	[smem:$0x3FAA] =	sst s2  }
0xb: {  	[smem:$0x3FAB] =	sst s3  }
0xc: {  	[smem:$0x3FAC] =	sst s4  }
0xd: {  	[smem:$0x3FAD] =	sst s5  }
0xe: {  	[smem:$0x3FAE] =	sst s6  }
0xf: {  	[smem:$0x3FAF] =	sst s7  }
0x10: {  	[smem:$0x3FB0] =	sst s8  }
0x11: {  	[smem:$0x3FB1] =	sst s9;
	s0 =	simm.s32 @!p0 $0x0  }
0x12: {  	s1 =	sld [smem:$0x3F97];
	s0 =	simm.s32 @p0 $0x1  }
0x13: {  	[smem:$0x3FB2] =	sst s0;
	s0 =	simm.s32 @!p1 $0x0  }
0x14: {  	s2 =	sld [smem:$0x3F96];
	s0 =	simm.s32 @p1 $0x1  }
0x15: {  	[smem:$0x3FB3] =	sst s0;
	s0 =	simm.s32 @!p2 $0x0  }
0x16: {  	s3 =	sld [smem:$0x3FDB];
	s0 =	simm.s32 @p2 $0x1  }
0x17: {  	s4 =	simm.s32 $0x1BF5;
	[smem:$0x3FB5] =	sst s0  }
0x18: {  	s0 =	sld [smem:$0x3F98];
	_ =	swait.ge [sflag:s4], $0x0  }
0x19: {  	s7 =	sld [smem:$0x3F99]  }
0x1a: {  	s8 =	sadd.s32 $0xFFFFE003, lr  }
0x1b: {  	s9 =	sadd.s32 $0xFFFFFEF7, lr;
	s5 =	simm.s32 $0xFFFFFFFF;
	p2 =	slt.u32 s8, $0xFFFFF086  }
0x1c: {  	p1 =	slt.u32 s9, $0xF7A;
	s5 =	simm.s32 @!p2 $0x0  }
0x1d: {  	s5 =	simm.s32 @p1 $0x1;
	p0 =	seq.s32 s7, s2  }
0x1e: {  	s7 =	smul.u32 @!p0 $0xF7A, s2;
	p2 =	seq.s32 @!p0 s5, $0x0  }
0x1f: {  	s9 =	smul.u32 $0xF7A, s1;
	s8 =	simm.s32 @!p0 $0x1BF5;
	p2 =	por !p2, p0  }
0x20: {  	[sflag:s8] =	ssyncset.s32 @!p0 $0xFFFFF086;
	s6 =	sadd.s32 @!p0 s3, s7;
	s7 =	simm.s32 @!p0 $0x108  }
0x21: {  	s3 =	sadd.s32 s3, s9;
	s6 =	sadd.s32 @!p0 $0x88, s6;
	s7 =	simm.s32 @p2 $0x1082  }
0x22: {  	[simem:s7], [sflag:s8] =	dma.local @!p0 [hbm:s6], $0xF7A  }
0x23: {  	s9 =	sor.u32 $0xD0000000, s2;
	s6 =	simm.s32 $0x108;
	_ =	swait.ge @!p0 [sflag:s8], $0x0  }
0x24: {  	s3 =	sadd.s32 $0x88, s3;
	s6 =	simm.s32 @!p1 $0x1082;
	[sflag:s4] =	ssyncset.s32 $0xFFFFF086  }
0x25: {  	[simem:s6], [sflag:s4] =	dma.local [hbm:s3], $0xF7A  }
0x26: {  	[smem:$0x3F99] =	sst s1;
	(tag) =	ssettag s2;
	_ =	strace s9  }
0x27: {  	s1 =	sld [smem:$0x3FA9]  }
0x28: {  	s2 =	sld [smem:$0x3FAA]  }
0x29: {  	s4 =	sld [smem:$0x3FAC]  }
0x2a: {  	p0 =	seq.s32 s5, $0x0;
	s5 =	sld [smem:$0x3FAD]  }
0x2b: {  	s6 =	sld [smem:$0x3FAE]  }
0x2c: {  	s7 =	sld [smem:$0x3FAF]  }
0x2d: {  	s3 =	simm.s32 $0x108;
	s8 =	sld [smem:$0x3FB0]  }
0x2e: {  	s3 =	simm.s32 @!p0 $0x1082;
	s9 =	sld [smem:$0x3FB1]  }
0x2f: {  	lr =	sadd.s32 s0, s3;
	s0 =	sld [smem:$0x3FA8]  }
0x30: {  	s3 =	sld [smem:$0x3FAB]  }
0x31: {  	[smem:$0x3FB4] =	sst s10  }
0x32: {  	s10 =	sld [smem:$0x3FB2];
	_ =	sdelay $0x3  }
0x33: {  	p0 =	seq.s32 s10, $0x1;
	s10 =	sld [smem:$0x3FB4];
	_ =	sdelay $0x3  }
0x34: {  	[smem:$0x3FB4] =	sst s10  }
0x35: {  	s10 =	sld [smem:$0x3FB3];
	_ =	sdelay $0x3  }
0x36: {  	p1 =	seq.s32 s10, $0x1;
	s10 =	sld [smem:$0x3FB4];
	_ =	sdelay $0x3  }
0x37: {  	[smem:$0x3FB4] =	sst s10  }
0x38: {  	s10 =	sld [smem:$0x3FB5]  }
0x39: {  	_ = 	snop;
	(pc) =	sbr.ind lr, $3  }
0x3a: {  	_ = 	snop  }
0x3b: {  	_ = 	snop  }
0x3c: {  	p2 =	seq.s32 s10, $0x1;
	s10 =	sld [smem:$0x3FB4]  }
0x3d: {  	_ =	shalt  }
0x3e: {  	_ =	shalt  }
0x3f: {  	_ =	shalt  }
0x40: {  	_ =	shalt  }
0x41: {  	_ =	shalt  }
0x42: {  	_ =	shalt  }
0x43: {  	_ =	shalt  }
0x44: {  	_ =	shalt  }
0x45: {  	_ =	shalt  }
0x46: {  	_ =	shalt  }
0x47: {  	_ =	shalt  }
0x48: {  	_ =	shalt  }
0x49: {  	_ =	shalt  }
0x4a: {  	_ =	shalt  }
0x4b: {  	_ =	shalt  }
0x4c: {  	_ =	shalt  }
0x4d: {  	_ =	shalt  }
0x4e: {  	_ =	shalt  }
0x4f: {  	_ =	shalt  }
0x50: {  	_ =	shalt  }
0x51: {  	_ =	shalt  }
0x52: {  	_ =	shalt  }
0x53: {  	_ =	shalt  }
0x54: {  	_ =	shalt  }
0x55: {  	_ =	shalt  }
0x56: {  	_ =	shalt  }
0x57: {  	_ =	shalt  }
0x58: {  	_ =	shalt  }
0x59: {  	_ =	shalt  }
0x5a: {  	_ =	shalt  }
0x5b: {  	_ =	shalt  }
0x5c: {  	_ =	shalt  }
0x5d: {  	_ =	shalt  }
0x5e: {  	_ =	shalt  }
0x5f: {  	_ =	shalt  }
0x60: {  	_ =	shalt  }
0x61: {  	_ =	shalt  }
0x62: {  	_ =	shalt  }
0x63: {  	_ =	shalt  }
0x64: {  	_ =	shalt  }
0x65: {  	_ =	shalt  }
0x66: {  	_ =	shalt  }
0x67: {  	_ =	shalt  }
0x68: {  	_ =	shalt  }
0x69: {  	_ =	shalt  }
0x6a: {  	_ =	shalt  }
0x6b: {  	_ =	shalt  }
0x6c: {  	_ =	shalt  }
0x6d: {  	_ =	shalt  }
0x6e: {  	_ =	shalt  }
0x6f: {  	_ =	shalt  }
0x70: {  	_ =	shalt  }
0x71: {  	_ =	shalt  }
0x72: {  	_ =	shalt  }
0x73: {  	_ =	shalt  }
0x74: {  	_ =	shalt  }
0x75: {  	_ =	shalt  }
0x76: {  	_ =	shalt  }
0x77: {  	_ =	shalt  }
0x78: {  	_ =	shalt  }
0x79: {  	_ =	shalt  }
0x7a: {  	_ =	shalt  }
0x7b: {  	_ =	shalt  }
0x7c: {  	_ =	shalt  }
0x7d: {  	_ =	shalt  }
0x7e: {  	_ =	shalt  }
0x7f: {  	_ =	shalt  }
0x80: {  	_ =	shalt  }
0x81: {  	_ =	shalt  }
0x82: {  	_ =	shalt  }
0x83: {  	_ =	shalt  }
0x84: {  	_ =	shalt  }
0x85: {  	_ =	shalt  }
0x86: {  	_ =	shalt  }
0x87: {  	_ =	shalt  }
.Lfunc_end0:
.L_simem_size_0:
called_computation_lowered:
.L_overlay_start_0:
0x88: {  	s2 =	sld [smem:$0x3FD9]  }
0x89: {  	s3 =	sld [smem:$0x3FFE];
	_ =	sdelay $0x1  }
0x8a: {  	s1 =	srdreg.scid  }
0x8b: {  	s0 =	sand.u32 $0x1, s1  }
0x8c: {  	s17 =	sshll.u32 s0, $0xA;
	s2 =	sadd.s32 s3, s2  }
0x8d: {  	s2 =	sadd.s32 s2, s17  }
0x8e: {  	[smem:$0x3FC0] =	sst s2  }
0x8f: {  	_ = 	snop  }
0x90: {  	s2 =	sld [smem:$0x3FC9];
	(tm) =	ssettm $0x1  }
0x91: {  	s18 =	sld [smem:$0x3FFB];
	_ =	sdelay $0x3  }
0x92: {  	_ =	strace s18  }
0x93: {  	s3 =	sld [smem:$0x3FFC];
	_ =	sdelay $0x3  }
0x94: {  	_ =	strace s3  }
0x95: {  	s3 =	sld [smem:$0x3FFD];
	_ =	sdelay $0x3  }
0x96: {  	_ =	strace s3  }
0x97: {  	_ =	strace $0x8FFFFFFF  }
0x98: {  	s19 =	sld [smem:$0x3FDB];
	_ =	sdelay $0x1  }
0x99: {  	s4 =	simm.s32 $_scs_section_size  }
0x9a: {  	s5 =	simm.s32 $_size__tile_overlayer_lowered;
	s6 =	simm.s32 $_tile_overlayer_lowered  }
0x9b: {  	s22 =	simm.s32 $0x1BFF;
	s21 =	sshll.u32 s6, $0x1;
	s3 =	sadd.s32 s4, s19  }
0x9c: {  	s7 =	simm.s32 $0x0;
	s20 =	sshll.u32 s5, $0x1;
	s5 =	sadd.s32 s21, s3  }
0x9d: {  	[timem:s7], [sflag:s22] =	dma.local [hbm:s5], s20  }
0x9e: {  	_ =	swait.ge [sflag:s22], s20  }
0x9f: {  	s4 =	ssub.s32 $0x0, s20;
	[sflag:s22] =	ssyncset.done $0x0  }
0xa0: {  	[sflag:s22] =	ssyncadd.s32 s4;
	_ =	sdelay $0x1  }
0xa1: {  	s23 =	simm.s32 $0x1B8B  }
0xa2: {  	_ =	swait.ge [sflag:s23], $0x1  }
0xa3: {  	[sflag:s23] =	ssyncset.done $0x0  }
0xa4: {  	s25 =	simm.s32 $0x1B8E;
	s24 =	sld [smem:$0x3FFE];
	[sflag:s23] =	ssyncadd.s32 $0xFFFFFFFF  }
0xa5: {  	s26 =	simm.s32 $execute0_lowered;
	[smem:$0x3FD2] =	sst s25  }
0xa6: {  	s5 =	sshll.u32 s26, $0x1;
	_ =	strace $0x80000046;
	[dreg:$0x1] =	wrdreg $0xFFFFFFFF  }
0xa7: {  	s28 =	simm.s32 $_size_execute0_lowered;
	s3 =	sadd.s32 s3, s5;
	[dreg:$0x0] =	wrdreg $0x0  }
0xa8: {  	s5 =	sshll.u32 s28, $0x1;
	[dreg:$0x2] =	wrdreg s3  }
0xa9: {  	[dreg:$0x3] =	wrdreg s5  }
0xaa: {  	[dreg:$0x4] =	wrdreg $0xC0  }
0xab: {  	_ =	task [dreg:s7], $0x5FFFF  }
0xac: {  	[dreg:$0x1] =	wrdreg $0xFFFFFFFF  }
0xad: {  	[dreg:$0x0] =	wrdreg $0x60  }
0xae: {  	[dreg:$0x2] =	wrdreg s2  }
0xaf: {  	[dreg:$0x3] =	wrdreg s24  }
0xb0: {  	[dreg:$0x4] =	wrdreg $0x9  }
0xb1: {  	_ =	task.clear_ibuf [dreg:s7], $0x5FFFF;
	_ =	strace $0x90000046  }
0xb2: {  	s29 =	simm.s32 $0x9;
	_ =	strace $0x80000048  }
0xb3: {  	_ =	swait.ge [sflag:s29], $0x1  }
0xb4: {  	[sflag:s29] =	ssyncadd.s32 $0xFFFFFFFF  }
0xb5: {  	_ =	strace $0x90000048  }
0xb6: {  	_ =	sfence  }
0xb7: {  	s30 =	sld [smem:$0x0];
	_ =	sdelay $0x2  }
0xb8: {  	s31 =	sshll.u32 s1, $0xD;
	s1 =	sshrl.u32 s1, $0x2  }
0xb9: {  	s3 =	sand.u32 $0x4000, s31;
	s1 =	sadd.s32 s1, s30  }
0xba: {  	s0 =	sor.u32 s3, s0;
	s1 =	sshll.u32 s1, $0x11  }
0xbb: {  	s0 =	sor.u32 s1, s0  }
0xbc: {  	s0 =	sadd.s32 $0x8F2B, s0  }
0xbd: {  	[sflag:s0] =	ssyncadd.remote.s32 $0x1  }
0xbe: {  	_ =	sfence.sel $0xFFFF  }
0xbf: {  	[dreg:$0x0] =	wrdreg $0xFFFFFFFF;
	(pc) =	sbr.abs _section_cstart, $3  }
0xc0: {  	[dreg:$0x1] =	wrdreg $0xFFFFFFFF  }
0xc1: {  	_ =	task.clear_ibuf [dreg:s7], $0x2FFFF;
	_ =	strace $0x9FFFFFFF  }
0xc2: {  	(tm) =	ssettm $0x7FFFFFFF  }
0xc3: {  	_ =	shalt  }
tec
execute0_lowered:
.L_overlay_start_1:
0x0: {  	(tag) =	ssettag $0x1  }
0x1: {  	s0 =	srdreg.scid  }
0x2: {  	s1 =	rddreg [dreg:$0x0];
	s2 =	stileid.u32  }
0x3: {  	s6 =	rddreg [dreg:$0x1];
	s25 =	simm.s32 $0x10000;
	s8 =	simm.s32 $0x2  }
0x4: {  	s26 =	simm.s32 $0x10080;
	s19 =	simm.s32 $0x1800;
	s20 =	simm.s32 $0x2000  }
0x5: {  	s21 =	simm.s32 $0x2800;
	s28 =	simm.s32 $0x5800;
	s29 =	simm.s32 $0x6000  }
0x6: {  	s30 =	simm.s32 $0x6800;
	s31 =	simm.s32 $0x7000;
	s9 =	simm.s32 $0x8800  }
0x7: {  	s10 =	simm.s32 $0x9000;
	s11 =	simm.s32 $0x9800;
	s12 =	simm.s32 $0xA000  }
0x8: {  	s13 =	simm.s32 $0xA800;
	s14 =	simm.s32 $0xB000;
	s15 =	simm.s32 $0xB800  }
0x9: {  	s0 =	sand.u32 $0x1, s0;
	s3 =	sshll.u32 s2, $0x7;
	s2 =	simm.s32 $0x0  }
0xa: {  	s16 =	simm.s32 $0xC000;
	s4 =	sshll.u32 s0, $0x6;
	[smem:$0x7FF] =	sst s2  }
0xb: {  	s0 =	ssub.s32 $0x2, s0;
	_ =	strace $0x80000047;
	[dreg:$0x6] =	wrdreg s25  }
0xc: {  	s3 =	sor.u32 s4, s3;
	s22 =	sshrl.u32 s0, $0x1;
	[dreg:$0x7] =	wrdreg s26  }
0xd: {  	s25 =	simm.s32 $0x4800;
	s26 =	simm.s32 $0x5000;
	s4 =	sshrl.u32 s3, $0x3  }
0xe: {  	s5 =	sshll.u32 s3, $0x7;
	s3 =	sadd.s32 $0x1A00, s6;
	s0 =	ssub.s32 s0, s22  }
0xf: {  	s22 =	simm.s32 $0x3000;
	s4 =	sadd.s32 s4, s6;
	s1 =	sadd.s32 s1, s5  }
0x10: {  	s5 =	sadd.s32 $0x1C00, s6;
	s7 =	smax.u32 s0, $0x1;
	[dreg:$0x3] =	wrdreg s1  }
0x11: {  	v2 =	vlaneseq.u32;
	s23 =	sadd.s32 $0x1800, s4;
	s24 =	sadd.s32 $0x1600, s4;
	s4 =	sadd.s32 $0x1B00, s6  }
0x12: {  	vm0 =	vmmov $0xffff;
	v1 =	vshrl.u32 v2, $0x3;
	s6 =	sadd.s32 $0x1D00, s6;
	s1 =	simm.s32 $0x7800;
	[dreg:$0x4] =	wrdreg s23  }
0x13: {  	v0 =	vand.u32 $0x7, v2;
	v2 =	vor.u32 $0x8, v2;
	v1 =	vmul.u32 $0x8, v1;
	[dreg:$0x5] =	wrdreg s24;
	s23 =	simm.s32 $0x3800;
	s24 =	simm.s32 $0x4000  }
.LBB2_1:
0x14: {  	s17 =	rddreg [dreg:$0x3]  }
0x15: {  	[tilespmem:s2], [sflag:$0x2] =	stream.linear.gather [hbm4b:s17+s2], $0x10000, $0x38;
	[tilespmem:$0x10100] =	vst v63  }
0x16: {  	_ =	swait.ge [sflag:s8], $0x10000  }
0x17: {  	s0 =	rddreg [dreg:$0x4];
	[sflag:s8] =	ssyncset.done $0x0  }
0x18: {  	s18 =	rddreg [dreg:$0x6];
	[sflag:s8] =	ssyncadd.s32 $0xFFFF0000  }
0x19: {  	[tilespmem:s18], [sflag:$0x2] =	stream.linear.gather [hbm4b:s0+s2], $0x40, $0x38;
	[tilespmem:$0x10100] =	vst v63  }
0x1a: {  	_ =	swait.ge [sflag:s8], $0x40  }
0x1b: {  	s18 =	rddreg [dreg:$0x5];
	[sflag:s8] =	ssyncset.done $0x0  }
0x1c: {  	s0 =	rddreg [dreg:$0x7];
	[sflag:s8] =	ssyncadd.s32 $0xFFFFFFC0  }
0x1d: {  	[tilespmem:s0], [sflag:$0x2] =	stream.linear.gather [hbm4b:s18+s2], $0x40, $0x38;
	[tilespmem:$0x10100] =	vst v63  }
0x1e: {  	_ =	swait.ge [sflag:s8], $0x40  }
0x1f: {  	[sflag:s8] =	ssyncset.done $0x0  }
0x20: {  	[sflag:s8] =	ssyncadd.s32 $0xFFFFFFC0  }
0x21: {  	v3 =	vld [tilespmem:$0x10000];
	_ =	sdelay $0x4  }
0x22: {  	v4 =	vshll.u32 v3, $0x3  }
0x23: {  	v3 =	vand.u32 $0x7, v3;
	v4 =	vand.u32 $0xFFFFFFC0, v4  }
0x24: {  	v3 =	vor.u32 v3, v4  }
0x25: {  	v4 =	vperm.xlane v3, v0;
	_ =	sdelay $0x1  }
0x26: {  	v4 =	vadd.s32 v1, v4;
	_ =	sdelay $0x4  }
0x27: {  	[hbm4b:s3+s2] =	stream.indirect_vreg.scatter [tilespmem:s2], [sflag:$0x1], $0x80, v4, vm0, $0xb8;
	[tilespmem:$0x10100] =	vst v63  }
0x28: {  	s17 =	simm.s32 $0x800;
	v3 =	vperm.xlane v3, v2  }
0x29: {  	[hbm4b:s4+s2] =	stream.indirect_vreg.scatter [tilespmem:s17], [sflag:$0x1], $0x80, v4, vm0, $0xb8;
	[tilespmem:$0x10100] =	vst v63  }
0x2a: {  	s18 =	simm.s32 $0x1000;
	v3 =	vadd.s32 v1, v3  }
0x2b: {  	[hbm4b:s5+s2] =	stream.indirect_vreg.scatter [tilespmem:s18], [sflag:$0x1], $0x80, v4, vm0, $0xb8;
	[tilespmem:$0x10100] =	vst v63  }
0x2c: {  	_ = 	snop  }
0x2d: {  	[hbm4b:s6+s2] =	stream.indirect_vreg.scatter [tilespmem:s19], [sflag:$0x1], $0x80, v4, vm0, $0xb8;
	[tilespmem:$0x10100] =	vst v63  }
0x2e: {  	_ = 	snop  }
0x2f: {  	[hbm4b:s3+s2] =	stream.indirect_vreg.scatter [tilespmem:s20], [sflag:$0x1], $0x80, v3, vm0, $0xb8;
	[tilespmem:$0x10100] =	vst v63  }
0x30: {  	_ = 	snop  }
0x31: {  	[hbm4b:s4+s2] =	stream.indirect_vreg.scatter [tilespmem:s21], [sflag:$0x1], $0x80, v3, vm0, $0xb8;
	[tilespmem:$0x10100] =	vst v63  }
0x32: {  	_ = 	snop  }
0x33: {  	[hbm4b:s5+s2] =	stream.indirect_vreg.scatter [tilespmem:s22], [sflag:$0x1], $0x80, v3, vm0, $0xb8;
	[tilespmem:$0x10100] =	vst v63  }
0x34: {  	_ = 	snop  }
0x35: {  	[hbm4b:s6+s2] =	stream.indirect_vreg.scatter [tilespmem:s23], [sflag:$0x1], $0x80, v3, vm0, $0xb8;
	[tilespmem:$0x10100] =	vst v63  }
0x36: {  	v3 =	vld [tilespmem:$0x10010];
	_ =	sdelay $0x4  }
0x37: {  	v57 =	vshll.u32 v3, $0x3  }
0x38: {  	v3 =	vand.u32 $0x7, v3;
	v4 =	vand.u32 $0xFFFFFFC0, v57  }
0x39: {  	v3 =	vor.u32 v3, v4  }
0x3a: {  	v4 =	vperm.xlane v3, v0;
	_ =	sdelay $0x1  }
0x3b: {  	v4 =	vadd.s32 v1, v4;
	_ =	sdelay $0x4  }
0x3c: {  	[hbm4b:s3+s2] =	stream.indirect_vreg.scatter [tilespmem:s24], [sflag:$0x1], $0x80, v4, vm0, $0xb8;
	[tilespmem:$0x10100] =	vst v63  }
0x3d: {  	v3 =	vperm.xlane v3, v2  }
0x3e: {  	[hbm4b:s4+s2] =	stream.indirect_vreg.scatter [tilespmem:s25], [sflag:$0x1], $0x80, v4, vm0, $0xb8;
	[tilespmem:$0x10100] =	vst v63  }
0x3f: {  	v3 =	vadd.s32 v1, v3  }
0x40: {  	[hbm4b:s5+s2] =	stream.indirect_vreg.scatter [tilespmem:s26], [sflag:$0x1], $0x80, v4, vm0, $0xb8;
	[tilespmem:$0x10100] =	vst v63  }
0x41: {  	_ = 	snop  }
0x42: {  	[hbm4b:s6+s2] =	stream.indirect_vreg.scatter [tilespmem:s28], [sflag:$0x1], $0x80, v4, vm0, $0xb8;
	[tilespmem:$0x10100] =	vst v63  }
0x43: {  	_ = 	snop  }
0x44: {  	[hbm4b:s3+s2] =	stream.indirect_vreg.scatter [tilespmem:s29], [sflag:$0x1], $0x80, v3, vm0, $0xb8;
	[tilespmem:$0x10100] =	vst v63  }
0x45: {  	_ = 	snop  }
0x46: {  	[hbm4b:s4+s2] =	stream.indirect_vreg.scatter [tilespmem:s30], [sflag:$0x1], $0x80, v3, vm0, $0xb8;
	[tilespmem:$0x10100] =	vst v63  }
0x47: {  	_ = 	snop  }
0x48: {  	[hbm4b:s5+s2] =	stream.indirect_vreg.scatter [tilespmem:s31], [sflag:$0x1], $0x80, v3, vm0, $0xb8;
	[tilespmem:$0x10100] =	vst v63  }
0x49: {  	_ = 	snop  }
0x4a: {  	[hbm4b:s6+s2] =	stream.indirect_vreg.scatter [tilespmem:s1], [sflag:$0x1], $0x80, v3, vm0, $0xb8;
	[tilespmem:$0x10100] =	vst v63  }
0x4b: {  	v3 =	vld [tilespmem:$0x10020];
	_ =	sdelay $0x4  }
0x4c: {  	v58 =	vshll.u32 v3, $0x3  }
0x4d: {  	v3 =	vand.u32 $0x7, v3;
	v4 =	vand.u32 $0xFFFFFFC0, v58  }
0x4e: {  	v3 =	vor.u32 v3, v4  }
0x4f: {  	v4 =	vperm.xlane v3, v0;
	_ =	sdelay $0x1  }
0x50: {  	v4 =	vadd.s32 v1, v4;
	_ =	sdelay $0x3  }
0x51: {  	s0 =	simm.s32 $0x8000  }
0x52: {  	[hbm4b:s3+s2] =	stream.indirect_vreg.scatter [tilespmem:s0], [sflag:$0x1], $0x80, v4, vm0, $0xb8;
	[tilespmem:$0x10100] =	vst v63  }
0x53: {  	v3 =	vperm.xlane v3, v2  }
0x54: {  	[hbm4b:s4+s2] =	stream.indirect_vreg.scatter [tilespmem:s9], [sflag:$0x1], $0x80, v4, vm0, $0xb8;
	[tilespmem:$0x10100] =	vst v63  }
0x55: {  	v3 =	vadd.s32 v1, v3  }
0x56: {  	[hbm4b:s5+s2] =	stream.indirect_vreg.scatter [tilespmem:s10], [sflag:$0x1], $0x80, v4, vm0, $0xb8;
	[tilespmem:$0x10100] =	vst v63  }
0x57: {  	_ = 	snop  }
0x58: {  	[hbm4b:s6+s2] =	stream.indirect_vreg.scatter [tilespmem:s11], [sflag:$0x1], $0x80, v4, vm0, $0xb8;
	[tilespmem:$0x10100] =	vst v63  }
0x59: {  	_ = 	snop  }
0x5a: {  	[hbm4b:s3+s2] =	stream.indirect_vreg.scatter [tilespmem:s12], [sflag:$0x1], $0x80, v3, vm0, $0xb8;
	[tilespmem:$0x10100] =	vst v63  }
0x5b: {  	_ = 	snop  }
0x5c: {  	[hbm4b:s4+s2] =	stream.indirect_vreg.scatter [tilespmem:s13], [sflag:$0x1], $0x80, v3, vm0, $0xb8;
	[tilespmem:$0x10100] =	vst v63  }
0x5d: {  	_ = 	snop  }
0x5e: {  	[hbm4b:s5+s2] =	stream.indirect_vreg.scatter [tilespmem:s14], [sflag:$0x1], $0x80, v3, vm0, $0xb8;
	[tilespmem:$0x10100] =	vst v63  }
0x5f: {  	_ = 	snop  }
0x60: {  	[hbm4b:s6+s2] =	stream.indirect_vreg.scatter [tilespmem:s15], [sflag:$0x1], $0x80, v3, vm0, $0xb8;
	[tilespmem:$0x10100] =	vst v63  }
0x61: {  	v3 =	vld [tilespmem:$0x10030];
	_ =	sdelay $0x4  }
0x62: {  	v59 =	vshll.u32 v3, $0x3  }
0x63: {  	v3 =	vand.u32 $0x7, v3;
	v4 =	vand.u32 $0xFFFFFFC0, v59  }
0x64: {  	v3 =	vor.u32 v3, v4  }
0x65: {  	v4 =	vperm.xlane v3, v0;
	_ =	sdelay $0x1  }
0x66: {  	v4 =	vadd.s32 v1, v4;
	_ =	sdelay $0x4  }
0x67: {  	[hbm4b:s3+s2] =	stream.indirect_vreg.scatter [tilespmem:s16], [sflag:$0x1], $0x80, v4, vm0, $0xb8;
	[tilespmem:$0x10100] =	vst v63  }
0x68: {  	s0 =	simm.s32 $0xC800;
	v3 =	vperm.xlane v3, v2  }
0x69: {  	[hbm4b:s4+s2] =	stream.indirect_vreg.scatter [tilespmem:s0], [sflag:$0x1], $0x80, v4, vm0, $0xb8;
	[tilespmem:$0x10100] =	vst v63  }
0x6a: {  	v3 =	vadd.s32 v1, v3;
	s0 =	simm.s32 $0xD000  }
0x6b: {  	[hbm4b:s5+s2] =	stream.indirect_vreg.scatter [tilespmem:s0], [sflag:$0x1], $0x80, v4, vm0, $0xb8;
	[tilespmem:$0x10100] =	vst v63  }
0x6c: {  	s0 =	simm.s32 $0xD800  }
0x6d: {  	[hbm4b:s6+s2] =	stream.indirect_vreg.scatter [tilespmem:s0], [sflag:$0x1], $0x80, v4, vm0, $0xb8;
	[tilespmem:$0x10100] =	vst v63  }
0x6e: {  	s0 =	simm.s32 $0xE000  }
0x6f: {  	[hbm4b:s3+s2] =	stream.indirect_vreg.scatter [tilespmem:s0], [sflag:$0x1], $0x80, v3, vm0, $0xb8;
	[tilespmem:$0x10100] =	vst v63  }
0x70: {  	s0 =	simm.s32 $0xE800  }
0x71: {  	[hbm4b:s4+s2] =	stream.indirect_vreg.scatter [tilespmem:s0], [sflag:$0x1], $0x80, v3, vm0, $0xb8;
	[tilespmem:$0x10100] =	vst v63  }
0x72: {  	s0 =	simm.s32 $0xF000  }
0x73: {  	[hbm4b:s5+s2] =	stream.indirect_vreg.scatter [tilespmem:s0], [sflag:$0x1], $0x80, v3, vm0, $0xb8;
	[tilespmem:$0x10100] =	vst v63  }
0x74: {  	s0 =	simm.s32 $0xF800  }
0x75: {  	[hbm4b:s6+s2] =	stream.indirect_vreg.scatter [tilespmem:s0], [sflag:$0x1], $0x80, v3, vm0, $0xb8;
	[tilespmem:$0x10100] =	vst v63  }
0x76: {  	v3 =	vld [tilespmem:$0x10080];
	_ =	sdelay $0x4  }
0x77: {  	v60 =	vshll.u32 v3, $0x3  }
0x78: {  	v3 =	vand.u32 $0x7, v3;
	v4 =	vand.u32 $0xFFFFFFC0, v60  }
0x79: {  	v3 =	vor.u32 v3, v4  }
0x7a: {  	v4 =	vperm.xlane v3, v0;
	_ =	sdelay $0x1  }
0x7b: {  	v4 =	vadd.s32 v1, v4;
	_ =	sdelay $0x4  }
0x7c: {  	[hbm4b:s3+s2] =	stream.indirect_vreg.scatter [tilespmem:s2], [sflag:$0x1], $0x80, v4, vm0, $0xb8;
	[tilespmem:$0x10100] =	vst v63  }
0x7d: {  	v3 =	vperm.xlane v3, v2  }
0x7e: {  	[hbm4b:s4+s2] =	stream.indirect_vreg.scatter [tilespmem:s17], [sflag:$0x1], $0x80, v4, vm0, $0xb8;
	[tilespmem:$0x10100] =	vst v63  }
0x7f: {  	v3 =	vadd.s32 v1, v3  }
0x80: {  	[hbm4b:s5+s2] =	stream.indirect_vreg.scatter [tilespmem:s18], [sflag:$0x1], $0x80, v4, vm0, $0xb8;
	[tilespmem:$0x10100] =	vst v63  }
0x81: {  	_ = 	snop  }
0x82: {  	[hbm4b:s6+s2] =	stream.indirect_vreg.scatter [tilespmem:s19], [sflag:$0x1], $0x80, v4, vm0, $0xb8;
	[tilespmem:$0x10100] =	vst v63  }
0x83: {  	_ = 	snop  }
0x84: {  	[hbm4b:s3+s2] =	stream.indirect_vreg.scatter [tilespmem:s20], [sflag:$0x1], $0x80, v3, vm0, $0xb8;
	[tilespmem:$0x10100] =	vst v63  }
0x85: {  	_ = 	snop  }
0x86: {  	[hbm4b:s4+s2] =	stream.indirect_vreg.scatter [tilespmem:s21], [sflag:$0x1], $0x80, v3, vm0, $0xb8;
	[tilespmem:$0x10100] =	vst v63  }
0x87: {  	_ = 	snop  }
0x88: {  	[hbm4b:s5+s2] =	stream.indirect_vreg.scatter [tilespmem:s22], [sflag:$0x1], $0x80, v3, vm0, $0xb8;
	[tilespmem:$0x10100] =	vst v63  }
0x89: {  	_ = 	snop  }
0x8a: {  	[hbm4b:s6+s2] =	stream.indirect_vreg.scatter [tilespmem:s23], [sflag:$0x1], $0x80, v3, vm0, $0xb8;
	[tilespmem:$0x10100] =	vst v63  }
0x8b: {  	v3 =	vld [tilespmem:$0x10090];
	_ =	sdelay $0x4  }
0x8c: {  	v61 =	vshll.u32 v3, $0x3  }
0x8d: {  	v3 =	vand.u32 $0x7, v3;
	v4 =	vand.u32 $0xFFFFFFC0, v61  }
0x8e: {  	v3 =	vor.u32 v3, v4  }
0x8f: {  	v4 =	vperm.xlane v3, v0;
	_ =	sdelay $0x1  }
0x90: {  	v4 =	vadd.s32 v1, v4;
	_ =	sdelay $0x4  }
0x91: {  	[hbm4b:s3+s2] =	stream.indirect_vreg.scatter [tilespmem:s24], [sflag:$0x1], $0x80, v4, vm0, $0xb8;
	[tilespmem:$0x10100] =	vst v63  }
0x92: {  	v3 =	vperm.xlane v3, v2  }
0x93: {  	[hbm4b:s4+s2] =	stream.indirect_vreg.scatter [tilespmem:s25], [sflag:$0x1], $0x80, v4, vm0, $0xb8;
	[tilespmem:$0x10100] =	vst v63  }
0x94: {  	v3 =	vadd.s32 v1, v3  }
0x95: {  	[hbm4b:s5+s2] =	stream.indirect_vreg.scatter [tilespmem:s26], [sflag:$0x1], $0x80, v4, vm0, $0xb8;
	[tilespmem:$0x10100] =	vst v63  }
0x96: {  	_ = 	snop  }
0x97: {  	[hbm4b:s6+s2] =	stream.indirect_vreg.scatter [tilespmem:s28], [sflag:$0x1], $0x80, v4, vm0, $0xb8;
	[tilespmem:$0x10100] =	vst v63  }
0x98: {  	_ = 	snop  }
0x99: {  	[hbm4b:s3+s2] =	stream.indirect_vreg.scatter [tilespmem:s29], [sflag:$0x1], $0x80, v3, vm0, $0xb8;
	[tilespmem:$0x10100] =	vst v63  }
0x9a: {  	_ = 	snop  }
0x9b: {  	[hbm4b:s4+s2] =	stream.indirect_vreg.scatter [tilespmem:s30], [sflag:$0x1], $0x80, v3, vm0, $0xb8;
	[tilespmem:$0x10100] =	vst v63  }
0x9c: {  	_ = 	snop  }
0x9d: {  	[hbm4b:s5+s2] =	stream.indirect_vreg.scatter [tilespmem:s31], [sflag:$0x1], $0x80, v3, vm0, $0xb8;
	[tilespmem:$0x10100] =	vst v63  }
0x9e: {  	_ = 	snop  }
0x9f: {  	[hbm4b:s6+s2] =	stream.indirect_vreg.scatter [tilespmem:s1], [sflag:$0x1], $0x80, v3, vm0, $0xb8;
	[tilespmem:$0x10100] =	vst v63  }
0xa0: {  	v3 =	vld [tilespmem:$0x100A0];
	_ =	sdelay $0x4  }
0xa1: {  	v62 =	vshll.u32 v3, $0x3  }
0xa2: {  	v3 =	vand.u32 $0x7, v3;
	v4 =	vand.u32 $0xFFFFFFC0, v62  }
0xa3: {  	v3 =	vor.u32 v3, v4  }
0xa4: {  	v4 =	vperm.xlane v3, v0;
	_ =	sdelay $0x1  }
0xa5: {  	v4 =	vadd.s32 v1, v4;
	_ =	sdelay $0x3  }
0xa6: {  	s18 =	simm.s32 $0x8000  }
0xa7: {  	[hbm4b:s3+s2] =	stream.indirect_vreg.scatter [tilespmem:s18], [sflag:$0x1], $0x80, v4, vm0, $0xb8;
	[tilespmem:$0x10100] =	vst v63  }
0xa8: {  	v3 =	vperm.xlane v3, v2  }
0xa9: {  	[hbm4b:s4+s2] =	stream.indirect_vreg.scatter [tilespmem:s9], [sflag:$0x1], $0x80, v4, vm0, $0xb8;
	[tilespmem:$0x10100] =	vst v63  }
0xaa: {  	v3 =	vadd.s32 v1, v3  }
0xab: {  	[hbm4b:s5+s2] =	stream.indirect_vreg.scatter [tilespmem:s10], [sflag:$0x1], $0x80, v4, vm0, $0xb8;
	[tilespmem:$0x10100] =	vst v63  }
0xac: {  	_ = 	snop  }
0xad: {  	[hbm4b:s6+s2] =	stream.indirect_vreg.scatter [tilespmem:s11], [sflag:$0x1], $0x80, v4, vm0, $0xb8;
	[tilespmem:$0x10100] =	vst v63  }
0xae: {  	_ = 	snop  }
0xaf: {  	[hbm4b:s3+s2] =	stream.indirect_vreg.scatter [tilespmem:s12], [sflag:$0x1], $0x80, v3, vm0, $0xb8;
	[tilespmem:$0x10100] =	vst v63  }
0xb0: {  	_ = 	snop  }
0xb1: {  	[hbm4b:s4+s2] =	stream.indirect_vreg.scatter [tilespmem:s13], [sflag:$0x1], $0x80, v3, vm0, $0xb8;
	[tilespmem:$0x10100] =	vst v63  }
0xb2: {  	_ = 	snop  }
0xb3: {  	[hbm4b:s5+s2] =	stream.indirect_vreg.scatter [tilespmem:s14], [sflag:$0x1], $0x80, v3, vm0, $0xb8;
	[tilespmem:$0x10100] =	vst v63  }
0xb4: {  	_ = 	snop  }
0xb5: {  	[hbm4b:s6+s2] =	stream.indirect_vreg.scatter [tilespmem:s15], [sflag:$0x1], $0x80, v3, vm0, $0xb8;
	[tilespmem:$0x10100] =	vst v63  }
0xb6: {  	v3 =	vld [tilespmem:$0x100B0];
	_ =	sdelay $0x4  }
0xb7: {  	v63 =	vshll.u32 v3, $0x3  }
0xb8: {  	v3 =	vand.u32 $0x7, v3;
	v4 =	vand.u32 $0xFFFFFFC0, v63  }
0xb9: {  	v3 =	vor.u32 v3, v4  }
0xba: {  	v4 =	vperm.xlane v3, v0;
	_ =	sdelay $0x1  }
0xbb: {  	v4 =	vadd.s32 v1, v4;
	_ =	sdelay $0x4  }
0xbc: {  	[hbm4b:s3+s2] =	stream.indirect_vreg.scatter [tilespmem:s16], [sflag:$0x1], $0x80, v4, vm0, $0xb8;
	[tilespmem:$0x10100] =	vst v63  }
0xbd: {  	s17 =	simm.s32 $0xC800;
	v3 =	vperm.xlane v3, v2  }
0xbe: {  	[hbm4b:s4+s2] =	stream.indirect_vreg.scatter [tilespmem:s17], [sflag:$0x1], $0x80, v4, vm0, $0xb8;
	[tilespmem:$0x10100] =	vst v63  }
0xbf: {  	s18 =	simm.s32 $0xD000;
	v3 =	vadd.s32 v1, v3  }
0xc0: {  	[hbm4b:s5+s2] =	stream.indirect_vreg.scatter [tilespmem:s18], [sflag:$0x1], $0x80, v4, vm0, $0xb8;
	[tilespmem:$0x10100] =	vst v63  }
0xc1: {  	s17 =	simm.s32 $0xD800  }
0xc2: {  	[hbm4b:s6+s2] =	stream.indirect_vreg.scatter [tilespmem:s17], [sflag:$0x1], $0x80, v4, vm0, $0xb8;
	[tilespmem:$0x10100] =	vst v63  }
0xc3: {  	s18 =	simm.s32 $0xE000  }
0xc4: {  	[hbm4b:s3+s2] =	stream.indirect_vreg.scatter [tilespmem:s18], [sflag:$0x1], $0x80, v3, vm0, $0xb8;
	[tilespmem:$0x10100] =	vst v63  }
0xc5: {  	s17 =	simm.s32 $0xE800  }
0xc6: {  	[hbm4b:s4+s2] =	stream.indirect_vreg.scatter [tilespmem:s17], [sflag:$0x1], $0x80, v3, vm0, $0xb8;
	[tilespmem:$0x10100] =	vst v63  }
0xc7: {  	s18 =	simm.s32 $0xF000  }
0xc8: {  	[hbm4b:s5+s2] =	stream.indirect_vreg.scatter [tilespmem:s18], [sflag:$0x1], $0x80, v3, vm0, $0xb8;
	[tilespmem:$0x10100] =	vst v63  }
0xc9: {  	s17 =	simm.s32 $0xF800;
	s18 =	simm.s32 $0x1  }
0xca: {  	[hbm4b:s6+s2] =	stream.indirect_vreg.scatter [tilespmem:s17], [sflag:$0x1], $0x80, v3, vm0, $0xb8;
	[tilespmem:$0x10100] =	vst v63  }
0xcb: {  	p0 =	sne.s32 s7, $0x1;
	_ =	swait.ge [sflag:s18], $0x10000  }
.Ltmp0:
0xcc: {  	[sflag:s18] =	ssyncset.done $0x0;
	(pc) =	sbr.rel @p0 .LBB2_1-.Ltmp0, $4  }
0xcd: {  	[sflag:s18] =	ssyncadd.s32 $0xFFFF0000  }
0xce: {  	_ =	swait.ge [sflag:s18], $0x10000  }
0xcf: {  	[sflag:s18] =	ssyncset.done $0x0  }
0xd0: {  	s7 =	sadd.s32 $0xFFFFFFFF, s7;
	[sflag:s18] =	ssyncadd.s32 $0xFFFF0000  }
0xd1: {  	_ =	sfence.sel $0x180000  }
0xd2: {  	[bflag:$0x0] =	sbarrier.arrive $0xFFFF  }
0xd3: {  	_ =	strace $0x90000047  }
0xd4: {  	s0 =	stileid.u32;
	[bflag:$0x2] =	sbarrier.arrive $0xFFFF  }
0xd5: {  	p0 =	sne.s32 s0, $0x0;
	s0 =	rddreg [dreg:$0x2]  }
0xd6: {  	s0 =	sadd.s32 @!p0 $0x100000, s0  }
0xd7: {  	[sflag:s0] =	ssyncadd.tile.s32 @!p0 $0x1;
	_ =	shalt  }
.Lfunc_end2:
_tile_overlayer_lowered:
.L_overlay_start_2:
0xd8: {  	(tag) =	ssettag $0x2  }
0xd9: {  	s0 =	rddreg [dreg:$0x0];
	s2 =	stileid.u32  }
0xda: {  	s1 =	rddreg [dreg:$0x1];
	p0 =	sne.s32 s2, $0x0  }
0xdb: {  	s3 =	rddreg [dreg:$0x2];
	[bflag:$0x3] =	sbarrier.arrive $0xFFFF;
	s2 =	simm.s32 @!p0 $0x1C02  }
0xdc: {  	[timem:s3], [sflag:s2] =	dma.local @!p0 [hbm:s0], s1  }
0xdd: {  	s0 =	simm.s32 @!p0 $0x2  }
0xde: {  	_ =	swait.ge @!p0 [sflag:s0], s1  }
0xdf: {  	s1 =	ssub.s32 @!p0 $0x0, s1;
	[sflag:s0] =	ssyncset.done @!p0 $0x0  }
0xe0: {  	[sflag:s0] =	ssyncadd.s32 @!p0 s1  }
0xe1: {  	[bflag:$0x3] =	sbarrier.arrive $0xFFFF  }
0xe2: {  	_ =	shalt  }

</sc_bundles>
